<compile_context>
chip_gen: v7x
topology: tpu7x:2x2x1
jax: 0.10.2.dev20260603
libtpu: 0.0.44.dev20260713+nightly
codegen_flags: <defaults>
</compile_context>

<pallas_src>
import functools

import jax
import jax.numpy as jnp
from jax import lax
from jax.experimental import pallas as pl
from jax.experimental.pallas import tpu as pltpu
from jax.experimental.pallas import tpu_sc as plsc

N_POINTS = 16384
N_COMP = 8192
L = 16
IW = 128


def _rsqrt(v):
    yi = jnp.int32(0x5F3759DF) - (plsc.bitcast(v, jnp.int32) >> 1)
    y = plsc.bitcast(yi, jnp.float32)
    for _ in range(3):
        y = y * (1.5 - 0.5 * v * y * y)
    return y


def _erfc(x):
    t = 1.0 / (1.0 + 0.5 * x)
    p = jnp.float32(0.17087277)
    for c in (-0.82215223, 1.48851587, -1.13520398, 0.27886807,
              -0.18628806, 0.09678418, 0.37409196, 1.00002368):
        p = jnp.float32(c) + t * p
    return t * jnp.exp(-x * x - 1.26551223 + t * p)


def _log(x):
    xi = plsc.bitcast(x, jnp.int32)
    ex = (xi >> 23) - 127
    m = plsc.bitcast((xi & jnp.int32(0x007FFFFF)) | jnp.int32(0x3F800000),
                     jnp.float32)
    adj = m > 1.4142135
    m = jnp.where(adj, 0.5 * m, m)
    ef = ex.astype(jnp.float32) + jnp.where(adj, 1.0, 0.0)
    s = (m - 1.0) / (m + 1.0)
    s2 = s * s
    lnm = 2.0 * s * (1.0 + s2 * (1.0 / 3.0 + s2 * (0.2 + s2 * (1.0 / 7.0))))
    return ef * 0.6931471805599453 + lnm


def _make_sc_call():
    info = plsc.get_sparse_core_info()
    nc, ns = info.num_cores, info.num_subcores
    nw = nc * ns
    assert N_COMP % (nw * L) == 0
    chunk = N_COMP // nw
    groups = chunk // L
    kk = chunk // IW
    per_row = IW // L
    mesh = plsc.VectorSubcoreMesh(core_axis_name="c", subcore_axis_name="s")

    @functools.partial(
        pl.kernel,
        out_type=jax.ShapeDtypeStruct((nc, IW), jnp.float32),
        mesh=mesh,
        compiler_params=pltpu.CompilerParams(needs_layout_passes=False),
        scratch_types=[
            pltpu.VMEM((chunk,), jnp.int32),
            pltpu.VMEM((chunk,), jnp.int32),
            pltpu.VMEM((chunk,), jnp.float32),
            pltpu.VMEM((chunk,), jnp.float32),
            pltpu.VMEM((chunk,), jnp.float32),
            pltpu.VMEM((chunk,), jnp.float32),
            pltpu.VMEM((chunk,), jnp.float32),
            pltpu.VMEM((IW,), jnp.float32),
            pltpu.VMEM_SHARED((ns, IW), jnp.float32),
            pltpu.VMEM((ns, IW), jnp.float32),
            pltpu.SemaphoreType.DMA,
            pltpu.SemaphoreType.DMA,
        ],
    )
    def call(win_hbm, los_hbm, mean_hbm, var_hbm, cw_hbm, out,
             wi_v, li_v, mw_v, ml_v, vw_v, vl_v, cw_v,
             st_v, shared_v, red_v, sem_a, sem_b):
        cid = lax.axis_index("c")
        sid = lax.axis_index("s")
        wid = sid * nc + cid
        base = wid * chunk

        stage = [
            pltpu.async_copy(win_hbm.at[pl.ds(base, chunk)], wi_v, sem_a),
            pltpu.async_copy(los_hbm.at[pl.ds(base, chunk)], li_v, sem_a),
            pltpu.async_copy(cw_hbm.at[pl.ds(base, chunk)], cw_v, sem_a),
        ]
        for c in stage:
            c.wait()

        sems = [sem_a, sem_b]
        gathers = [[] for _ in range(kk)]
        for k in range(kk):
            s = pl.ds(IW * k, IW)
            gathers[k].append(pltpu.async_copy(
                mean_hbm.at[wi_v.at[s]], mw_v.at[s], sems[k % 2]))
            gathers[k].append(pltpu.async_copy(
                mean_hbm.at[li_v.at[s]], ml_v.at[s], sems[k % 2]))
            gathers[k].append(pltpu.async_copy(
                var_hbm.at[wi_v.at[s]], vw_v.at[s], sems[k % 2]))
            gathers[k].append(pltpu.async_copy(
                var_hbm.at[li_v.at[s]], vl_v.at[s], sems[k % 2]))

        def group_body(i, carry):
            acc, wacc = carry
            g = pl.ds(L * i, L)
            mw = mw_v[g]
            ml = ml_v[g]
            vw = vw_v[g]
            vl = vl_v[g]
            cw = cw_v[g]

            md = mw - ml
            vd = vw + vl + 1e-6
            w = md * _rsqrt(vd) * 0.7071067811865476
            erf_abs = 1.0 - _erfc(jnp.abs(w))
            erf_s = jnp.where(w >= 0, erf_abs, -erf_abs)
            cdf = 0.5 * (1.0 + erf_s)
            lp = _log(cdf + 1e-8)
            return acc + cw * lp, wacc + cw

        for g in gathers:
            for c in g:
                c.wait()
        acc, wacc = lax.fori_loop(
            0, groups, group_body,
            (jnp.zeros((L,), jnp.float32), jnp.zeros((L,), jnp.float32)))

        st_v[pl.ds(0, L)] = acc
        st_v[pl.ds(L, L)] = wacc
        pltpu.sync_copy(st_v, shared_v.at[sid])
        plsc.subcore_barrier()

        @pl.when(sid == 0)
        def _():
            pltpu.sync_copy(shared_v, red_v)

            def red_body(r, carry):
                tot, wtot = carry
                return tot + red_v[r, pl.ds(0, L)], wtot + red_v[r, pl.ds(L, L)]

            tot, wtot = lax.fori_loop(
                0, ns, red_body,
                (jnp.zeros((L,), jnp.float32), jnp.zeros((L,), jnp.float32)))
            st_v[pl.ds(0, L)] = tot
            st_v[pl.ds(L, L)] = wtot
            pltpu.sync_copy(st_v, out.at[cid])

    return call


_sc_call = None


def kernel(mean, variance, target, confidence_weights):
    global _sc_call
    if _sc_call is None:
        _sc_call = _make_sc_call()
    tgt = target.astype(jnp.int32)
    out = _sc_call(tgt[:, 0], tgt[:, 1], mean, variance, confidence_weights)
    s1 = jnp.sum(out[:, :L])
    ws = jnp.sum(out[:, L:2 * L])
    n = jnp.float32(confidence_weights.shape[0])
    return jnp.where(ws > 0, s1 * (n / ws), s1)

# --- scband reference (transcript-rebuilt; emitter-appended) ---
"""Pipeline reference for scband-confidence-weighted-mll-21380347199789 (READ-ONLY COPY).

The authoritative reference and input builder live on the scoring server;
editing this copy changes nothing except your own understanding.
"""

import jax, jax.numpy as jnp
import numpy as np

N_POINTS = 16384
N_COMP = 8192

def setup_inputs(seed: int = 0) -> dict:
    key = jax.random.key(seed)
    k1, k2, k3 = jax.random.split(key, 3)
    mean = jax.random.normal(k1, (N_POINTS,), dtype=jnp.float32)
    variance = jax.random.uniform(k2, (N_POINTS,), dtype=jnp.float32)
    target = jax.random.randint(k3, (N_COMP, 2), 0, N_POINTS).astype(jnp.int64)
    confidence_weights = jnp.ones((N_COMP,), dtype=jnp.float32)
    return {"mean": mean, "variance": variance, "target": target, "confidence_weights": confidence_weights}

def reference(mean, variance, target, confidence_weights):
    # normalized weights (as computed in __init__)
    wsum = jnp.sum(confidence_weights)
    n = confidence_weights.shape[0]
    normalized_weights = jnp.where(wsum > 0, confidence_weights / wsum * n, confidence_weights)
    winner_idx = target[:, 0]
    loser_idx = target[:, 1]
    mean_diff = jnp.take(mean, winner_idx) - jnp.take(mean, loser_idx)
    var_diff = jnp.take(variance, winner_idx) + jnp.take(variance, loser_idx)
    std_diff = jnp.sqrt(var_diff + 1e-06)
    z_score = mean_diff / std_diff
    normal_cdf = 0.5 * (1.0 + jax.lax.erf(z_score / jnp.sqrt(jnp.asarray(2.0, dtype=mean.dtype))))
    log_prob = jnp.log(normal_cdf + 1e-08)
    weighted_log_prob = normalized_weights * log_prob
    total_weighted_ll = jnp.sum(weighted_log_prob)
    return total_weighted_ll

if __name__ == "__main__":
    import jax
    _d = setup_inputs()
    print(jax.jit(kernel)(*tuple(_d.values())))

</pallas_src>

<mosaic_0001>
#map = affine_map<(d0, d1) -> (0)>
#map1 = affine_map<(d0, d1) -> (0, 0)>
module attributes {stable_mosaic.version = 14 : i64} {
  func.func @call(%arg0: i32, %arg1: i32, %arg2: memref<8192xi32, #tpu.memory_space<hbm>>, %arg3: memref<8192xi32, #tpu.memory_space<hbm>>, %arg4: memref<16384xf32, #tpu.memory_space<hbm>>, %arg5: memref<16384xf32, #tpu.memory_space<hbm>>, %arg6: memref<8192xf32, #tpu.memory_space<hbm>>, %arg7: memref<2x128xf32, #tpu.memory_space<hbm>>, %arg8: memref<256xi32, #tpu.memory_space<vmem>>, %arg9: memref<256xi32, #tpu.memory_space<vmem>>, %arg10: memref<256xf32, #tpu.memory_space<vmem>>, %arg11: memref<256xf32, #tpu.memory_space<vmem>>, %arg12: memref<256xf32, #tpu.memory_space<vmem>>, %arg13: memref<256xf32, #tpu.memory_space<vmem>>, %arg14: memref<256xf32, #tpu.memory_space<vmem>>, %arg15: memref<128xf32, #tpu.memory_space<vmem>>, %arg16: memref<16x128xf32, #tpu.memory_space<vmem_shared>>, %arg17: memref<16x128xf32, #tpu.memory_space<vmem>>, %arg18: memref<!tpu.dma_semaphore, #tpu.memory_space<semaphore_mem>>, %arg19: memref<!tpu.dma_semaphore, #tpu.memory_space<semaphore_mem>>) attributes {dimension_semantics = [#tpu.dimension_semantics<core_parallel>, #tpu.dimension_semantics<subcore_parallel>], iteration_bounds = array<i64: 2, 16>, scalar_prefetch = 0 : i64, scratch_operands = 12 : i64, tpu.core_type = #tpu.core_type<sc_vector_subcore>, window_params = [{transform_indices = #map}, {transform_indices = #map}, {transform_indices = #map}, {transform_indices = #map}, {transform_indices = #map}, {transform_indices = #map1}]} {
    %mul3A = arith.constant 2 : i32
    %mul3A_0 = arith.muli %arg1, %mul3A : i32
    %add3A = arith.addi %mul3A_0, %arg0 : i32
    %mul3A_1 = arith.constant 256 : i32
    %mul3A_2 = arith.muli %add3A, %mul3A_1 : i32
    %dma_start3A = tpu.memref_slice %arg2[%mul3A_2] : memref<8192xi32, #tpu.memory_space<hbm>> -> memref<256xi32, #tpu.memory_space<hbm>>
    %dma_start3A_3 = tpu.memref_slice %arg2[%mul3A_2] : memref<8192xi32, #tpu.memory_space<hbm>> -> memref<256xi32, #tpu.memory_space<hbm>>
    tpu.enqueue_dma source(%dma_start3A_3 : memref<256xi32, #tpu.memory_space<hbm>>) target(%arg8 : memref<256xi32, #tpu.memory_space<vmem>>) target_semaphore(%arg18 : memref<!tpu.dma_semaphore, #tpu.memory_space<semaphore_mem>>)
    %dma_start3A_4 = tpu.memref_slice %arg3[%mul3A_2] : memref<8192xi32, #tpu.memory_space<hbm>> -> memref<256xi32, #tpu.memory_space<hbm>>
    %dma_start3A_5 = tpu.memref_slice %arg3[%mul3A_2] : memref<8192xi32, #tpu.memory_space<hbm>> -> memref<256xi32, #tpu.memory_space<hbm>>
    tpu.enqueue_dma source(%dma_start3A_5 : memref<256xi32, #tpu.memory_space<hbm>>) target(%arg9 : memref<256xi32, #tpu.memory_space<vmem>>) target_semaphore(%arg18 : memref<!tpu.dma_semaphore, #tpu.memory_space<semaphore_mem>>)
    %dma_start3A_6 = tpu.memref_slice %arg6[%mul3A_2] : memref<8192xf32, #tpu.memory_space<hbm>> -> memref<256xf32, #tpu.memory_space<hbm>>
    %dma_start3A_7 = tpu.memref_slice %arg6[%mul3A_2] : memref<8192xf32, #tpu.memory_space<hbm>> -> memref<256xf32, #tpu.memory_space<hbm>>
    tpu.enqueue_dma source(%dma_start3A_7 : memref<256xf32, #tpu.memory_space<hbm>>) target(%arg14 : memref<256xf32, #tpu.memory_space<vmem>>) target_semaphore(%arg18 : memref<!tpu.dma_semaphore, #tpu.memory_space<semaphore_mem>>)
    %dma_wait3A = tpu.memref_slice %arg2[%mul3A_2] : memref<8192xi32, #tpu.memory_space<hbm>> -> memref<256xi32, #tpu.memory_space<hbm>>
    %dma_wait3A_8 = tpu.memref_slice %arg2[%mul3A_2] : memref<8192xi32, #tpu.memory_space<hbm>> -> memref<256xi32, #tpu.memory_space<hbm>>
    tpu.wait_dma2 semaphore(%arg18 : memref<!tpu.dma_semaphore, #tpu.memory_space<semaphore_mem>>) src(%dma_wait3A_8 : memref<256xi32, #tpu.memory_space<hbm>>) dst(%arg8 : memref<256xi32, #tpu.memory_space<vmem>>)
    %dma_wait3A_9 = tpu.memref_slice %arg3[%mul3A_2] : memref<8192xi32, #tpu.memory_space<hbm>> -> memref<256xi32, #tpu.memory_space<hbm>>
    %dma_wait3A_10 = tpu.memref_slice %arg3[%mul3A_2] : memref<8192xi32, #tpu.memory_space<hbm>> -> memref<256xi32, #tpu.memory_space<hbm>>
    tpu.wait_dma2 semaphore(%arg18 : memref<!tpu.dma_semaphore, #tpu.memory_space<semaphore_mem>>) src(%dma_wait3A_10 : memref<256xi32, #tpu.memory_space<hbm>>) dst(%arg9 : memref<256xi32, #tpu.memory_space<vmem>>)
    %dma_wait3A_11 = tpu.memref_slice %arg6[%mul3A_2] : memref<8192xf32, #tpu.memory_space<hbm>> -> memref<256xf32, #tpu.memory_space<hbm>>
    %dma_wait3A_12 = tpu.memref_slice %arg6[%mul3A_2] : memref<8192xf32, #tpu.memory_space<hbm>> -> memref<256xf32, #tpu.memory_space<hbm>>
    tpu.wait_dma2 semaphore(%arg18 : memref<!tpu.dma_semaphore, #tpu.memory_space<semaphore_mem>>) src(%dma_wait3A_12 : memref<256xf32, #tpu.memory_space<hbm>>) dst(%arg14 : memref<256xf32, #tpu.memory_space<vmem>>)
    %dma_start3A_13 = arith.constant 0 : i32
    %dma_start3A_14 = tpu.memref_slice %arg10[%dma_start3A_13] : memref<256xf32, #tpu.memory_space<vmem>> -> memref<128xf32, #tpu.memory_space<vmem>>
    %dma_start3A_15 = arith.constant 0 : i32
    %dma_start3A_16 = tpu.memref_slice %arg8[%dma_start3A_15] : memref<256xi32, #tpu.memory_space<vmem>> -> memref<128xi32, #tpu.memory_space<vmem>>
    %dma_start3A_17 = arith.constant 0 : i32
    %dma_start3A_18 = tpu.memref_slice %arg4[%dma_start3A_17] : memref<16384xf32, #tpu.memory_space<hbm>> -> memref<16384xf32, #tpu.memory_space<hbm>>
    tpu.enqueue_indirect_dma source(%dma_start3A_18 : memref<16384xf32, #tpu.memory_space<hbm>>) target(%dma_start3A_14 : memref<128xf32, #tpu.memory_space<vmem>>) offsets(%dma_start3A_16 : memref<128xi32, #tpu.memory_space<vmem>>) semaphore(%arg18 : memref<!tpu.dma_semaphore, #tpu.memory_space<semaphore_mem>>)
    %dma_start3A_19 = arith.constant 0 : i32
    %dma_start3A_20 = tpu.memref_slice %arg11[%dma_start3A_19] : memref<256xf32, #tpu.memory_space<vmem>> -> memref<128xf32, #tpu.memory_space<vmem>>
    %dma_start3A_21 = arith.constant 0 : i32
    %dma_start3A_22 = tpu.memref_slice %arg9[%dma_start3A_21] : memref<256xi32, #tpu.memory_space<vmem>> -> memref<128xi32, #tpu.memory_space<vmem>>
    %dma_start3A_23 = arith.constant 0 : i32
    %dma_start3A_24 = tpu.memref_slice %arg4[%dma_start3A_23] : memref<16384xf32, #tpu.memory_space<hbm>> -> memref<16384xf32, #tpu.memory_space<hbm>>
    tpu.enqueue_indirect_dma source(%dma_start3A_24 : memref<16384xf32, #tpu.memory_space<hbm>>) target(%dma_start3A_20 : memref<128xf32, #tpu.memory_space<vmem>>) offsets(%dma_start3A_22 : memref<128xi32, #tpu.memory_space<vmem>>) semaphore(%arg18 : memref<!tpu.dma_semaphore, #tpu.memory_space<semaphore_mem>>)
    %dma_start3A_25 = arith.constant 0 : i32
    %dma_start3A_26 = tpu.memref_slice %arg12[%dma_start3A_25] : memref<256xf32, #tpu.memory_space<vmem>> -> memref<128xf32, #tpu.memory_space<vmem>>
    %dma_start3A_27 = arith.constant 0 : i32
    %dma_start3A_28 = tpu.memref_slice %arg8[%dma_start3A_27] : memref<256xi32, #tpu.memory_space<vmem>> -> memref<128xi32, #tpu.memory_space<vmem>>
    %dma_start3A_29 = arith.constant 0 : i32
    %dma_start3A_30 = tpu.memref_slice %arg5[%dma_start3A_29] : memref<16384xf32, #tpu.memory_space<hbm>> -> memref<16384xf32, #tpu.memory_space<hbm>>
    tpu.enqueue_indirect_dma source(%dma_start3A_30 : memref<16384xf32, #tpu.memory_space<hbm>>) target(%dma_start3A_26 : memref<128xf32, #tpu.memory_space<vmem>>) offsets(%dma_start3A_28 : memref<128xi32, #tpu.memory_space<vmem>>) semaphore(%arg18 : memref<!tpu.dma_semaphore, #tpu.memory_space<semaphore_mem>>)
    %dma_start3A_31 = arith.constant 0 : i32
    %dma_start3A_32 = tpu.memref_slice %arg13[%dma_start3A_31] : memref<256xf32, #tpu.memory_space<vmem>> -> memref<128xf32, #tpu.memory_space<vmem>>
    %dma_start3A_33 = arith.constant 0 : i32
    %dma_start3A_34 = tpu.memref_slice %arg9[%dma_start3A_33] : memref<256xi32, #tpu.memory_space<vmem>> -> memref<128xi32, #tpu.memory_space<vmem>>
    %dma_start3A_35 = arith.constant 0 : i32
    %dma_start3A_36 = tpu.memref_slice %arg5[%dma_start3A_35] : memref<16384xf32, #tpu.memory_space<hbm>> -> memref<16384xf32, #tpu.memory_space<hbm>>
    tpu.enqueue_indirect_dma source(%dma_start3A_36 : memref<16384xf32, #tpu.memory_space<hbm>>) target(%dma_start3A_32 : memref<128xf32, #tpu.memory_space<vmem>>) offsets(%dma_start3A_34 : memref<128xi32, #tpu.memory_space<vmem>>) semaphore(%arg18 : memref<!tpu.dma_semaphore, #tpu.memory_space<semaphore_mem>>)
    %dma_start3A_37 = arith.constant 128 : i32
    %dma_start3A_38 = tpu.memref_slice %arg10[%dma_start3A_37] : memref<256xf32, #tpu.memory_space<vmem>> -> memref<128xf32, #tpu.memory_space<vmem>>
    %dma_start3A_39 = arith.constant 128 : i32
    %dma_start3A_40 = tpu.memref_slice %arg8[%dma_start3A_39] : memref<256xi32, #tpu.memory_space<vmem>> -> memref<128xi32, #tpu.memory_space<vmem>>
    %dma_start3A_41 = arith.constant 0 : i32
    %dma_start3A_42 = tpu.memref_slice %arg4[%dma_start3A_41] : memref<16384xf32, #tpu.memory_space<hbm>> -> memref<16384xf32, #tpu.memory_space<hbm>>
    tpu.enqueue_indirect_dma source(%dma_start3A_42 : memref<16384xf32, #tpu.memory_space<hbm>>) target(%dma_start3A_38 : memref<128xf32, #tpu.memory_space<vmem>>) offsets(%dma_start3A_40 : memref<128xi32, #tpu.memory_space<vmem>>) semaphore(%arg19 : memref<!tpu.dma_semaphore, #tpu.memory_space<semaphore_mem>>)
    %dma_start3A_43 = arith.constant 128 : i32
    %dma_start3A_44 = tpu.memref_slice %arg11[%dma_start3A_43] : memref<256xf32, #tpu.memory_space<vmem>> -> memref<128xf32, #tpu.memory_space<vmem>>
    %dma_start3A_45 = arith.constant 128 : i32
    %dma_start3A_46 = tpu.memref_slice %arg9[%dma_start3A_45] : memref<256xi32, #tpu.memory_space<vmem>> -> memref<128xi32, #tpu.memory_space<vmem>>
    %dma_start3A_47 = arith.constant 0 : i32
    %dma_start3A_48 = tpu.memref_slice %arg4[%dma_start3A_47] : memref<16384xf32, #tpu.memory_space<hbm>> -> memref<16384xf32, #tpu.memory_space<hbm>>
    tpu.enqueue_indirect_dma source(%dma_start3A_48 : memref<16384xf32, #tpu.memory_space<hbm>>) target(%dma_start3A_44 : memref<128xf32, #tpu.memory_space<vmem>>) offsets(%dma_start3A_46 : memref<128xi32, #tpu.memory_space<vmem>>) semaphore(%arg19 : memref<!tpu.dma_semaphore, #tpu.memory_space<semaphore_mem>>)
    %dma_start3A_49 = arith.constant 128 : i32
    %dma_start3A_50 = tpu.memref_slice %arg12[%dma_start3A_49] : memref<256xf32, #tpu.memory_space<vmem>> -> memref<128xf32, #tpu.memory_space<vmem>>
    %dma_start3A_51 = arith.constant 128 : i32
    %dma_start3A_52 = tpu.memref_slice %arg8[%dma_start3A_51] : memref<256xi32, #tpu.memory_space<vmem>> -> memref<128xi32, #tpu.memory_space<vmem>>
    %dma_start3A_53 = arith.constant 0 : i32
    %dma_start3A_54 = tpu.memref_slice %arg5[%dma_start3A_53] : memref<16384xf32, #tpu.memory_space<hbm>> -> memref<16384xf32, #tpu.memory_space<hbm>>
    tpu.enqueue_indirect_dma source(%dma_start3A_54 : memref<16384xf32, #tpu.memory_space<hbm>>) target(%dma_start3A_50 : memref<128xf32, #tpu.memory_space<vmem>>) offsets(%dma_start3A_52 : memref<128xi32, #tpu.memory_space<vmem>>) semaphore(%arg19 : memref<!tpu.dma_semaphore, #tpu.memory_space<semaphore_mem>>)
    %dma_start3A_55 = arith.constant 128 : i32
    %dma_start3A_56 = tpu.memref_slice %arg13[%dma_start3A_55] : memref<256xf32, #tpu.memory_space<vmem>> -> memref<128xf32, #tpu.memory_space<vmem>>
    %dma_start3A_57 = arith.constant 128 : i32
    %dma_start3A_58 = tpu.memref_slice %arg9[%dma_start3A_57] : memref<256xi32, #tpu.memory_space<vmem>> -> memref<128xi32, #tpu.memory_space<vmem>>
    %dma_start3A_59 = arith.constant 0 : i32
    %dma_start3A_60 = tpu.memref_slice %arg5[%dma_start3A_59] : memref<16384xf32, #tpu.memory_space<hbm>> -> memref<16384xf32, #tpu.memory_space<hbm>>
    tpu.enqueue_indirect_dma source(%dma_start3A_60 : memref<16384xf32, #tpu.memory_space<hbm>>) target(%dma_start3A_56 : memref<128xf32, #tpu.memory_space<vmem>>) offsets(%dma_start3A_58 : memref<128xi32, #tpu.memory_space<vmem>>) semaphore(%arg19 : memref<!tpu.dma_semaphore, #tpu.memory_space<semaphore_mem>>)
    %dma_wait3A_61 = arith.constant 0 : i32
    %dma_wait3A_62 = tpu.memref_slice %arg10[%dma_wait3A_61] : memref<256xf32, #tpu.memory_space<vmem>> -> memref<128xf32, #tpu.memory_space<vmem>>
    %dma_wait3A_63 = arith.constant 0 : i32
    %dma_wait3A_64 = tpu.memref_slice %arg8[%dma_wait3A_63] : memref<256xi32, #tpu.memory_space<vmem>> -> memref<128xi32, #tpu.memory_space<vmem>>
    %dma_wait3A_65 = arith.constant 0 : i32
    %dma_wait3A_66 = tpu.memref_slice %arg4[%dma_wait3A_65] : memref<16384xf32, #tpu.memory_space<hbm>> -> memref<16384xf32, #tpu.memory_space<hbm>>
    tpu.wait_indirect_dma semaphore(%arg18 : memref<!tpu.dma_semaphore, #tpu.memory_space<semaphore_mem>>) src(%dma_wait3A_66 : memref<16384xf32, #tpu.memory_space<hbm>>) dst(%dma_wait3A_62 : memref<128xf32, #tpu.memory_space<vmem>>)
    %dma_wait3A_67 = arith.constant 0 : i32
    %dma_wait3A_68 = tpu.memref_slice %arg11[%dma_wait3A_67] : memref<256xf32, #tpu.memory_space<vmem>> -> memref<128xf32, #tpu.memory_space<vmem>>
    %dma_wait3A_69 = arith.constant 0 : i32
    %dma_wait3A_70 = tpu.memref_slice %arg9[%dma_wait3A_69] : memref<256xi32, #tpu.memory_space<vmem>> -> memref<128xi32, #tpu.memory_space<vmem>>
    %dma_wait3A_71 = arith.constant 0 : i32
    %dma_wait3A_72 = tpu.memref_slice %arg4[%dma_wait3A_71] : memref<16384xf32, #tpu.memory_space<hbm>> -> memref<16384xf32, #tpu.memory_space<hbm>>
    tpu.wait_indirect_dma semaphore(%arg18 : memref<!tpu.dma_semaphore, #tpu.memory_space<semaphore_mem>>) src(%dma_wait3A_72 : memref<16384xf32, #tpu.memory_space<hbm>>) dst(%dma_wait3A_68 : memref<128xf32, #tpu.memory_space<vmem>>)
    %dma_wait3A_73 = arith.constant 0 : i32
    %dma_wait3A_74 = tpu.memref_slice %arg12[%dma_wait3A_73] : memref<256xf32, #tpu.memory_space<vmem>> -> memref<128xf32, #tpu.memory_space<vmem>>
    %dma_wait3A_75 = arith.constant 0 : i32
    %dma_wait3A_76 = tpu.memref_slice %arg8[%dma_wait3A_75] : memref<256xi32, #tpu.memory_space<vmem>> -> memref<128xi32, #tpu.memory_space<vmem>>
    %dma_wait3A_77 = arith.constant 0 : i32
    %dma_wait3A_78 = tpu.memref_slice %arg5[%dma_wait3A_77] : memref<16384xf32, #tpu.memory_space<hbm>> -> memref<16384xf32, #tpu.memory_space<hbm>>
    tpu.wait_indirect_dma semaphore(%arg18 : memref<!tpu.dma_semaphore, #tpu.memory_space<semaphore_mem>>) src(%dma_wait3A_78 : memref<16384xf32, #tpu.memory_space<hbm>>) dst(%dma_wait3A_74 : memref<128xf32, #tpu.memory_space<vmem>>)
    %dma_wait3A_79 = arith.constant 0 : i32
    %dma_wait3A_80 = tpu.memref_slice %arg13[%dma_wait3A_79] : memref<256xf32, #tpu.memory_space<vmem>> -> memref<128xf32, #tpu.memory_space<vmem>>
    %dma_wait3A_81 = arith.constant 0 : i32
    %dma_wait3A_82 = tpu.memref_slice %arg9[%dma_wait3A_81] : memref<256xi32, #tpu.memory_space<vmem>> -> memref<128xi32, #tpu.memory_space<vmem>>
    %dma_wait3A_83 = arith.constant 0 : i32
    %dma_wait3A_84 = tpu.memref_slice %arg5[%dma_wait3A_83] : memref<16384xf32, #tpu.memory_space<hbm>> -> memref<16384xf32, #tpu.memory_space<hbm>>
    tpu.wait_indirect_dma semaphore(%arg18 : memref<!tpu.dma_semaphore, #tpu.memory_space<semaphore_mem>>) src(%dma_wait3A_84 : memref<16384xf32, #tpu.memory_space<hbm>>) dst(%dma_wait3A_80 : memref<128xf32, #tpu.memory_space<vmem>>)
    %dma_wait3A_85 = arith.constant 128 : i32
    %dma_wait3A_86 = tpu.memref_slice %arg10[%dma_wait3A_85] : memref<256xf32, #tpu.memory_space<vmem>> -> memref<128xf32, #tpu.memory_space<vmem>>
    %dma_wait3A_87 = arith.constant 128 : i32
    %dma_wait3A_88 = tpu.memref_slice %arg8[%dma_wait3A_87] : memref<256xi32, #tpu.memory_space<vmem>> -> memref<128xi32, #tpu.memory_space<vmem>>
    %dma_wait3A_89 = arith.constant 0 : i32
    %dma_wait3A_90 = tpu.memref_slice %arg4[%dma_wait3A_89] : memref<16384xf32, #tpu.memory_space<hbm>> -> memref<16384xf32, #tpu.memory_space<hbm>>
    tpu.wait_indirect_dma semaphore(%arg19 : memref<!tpu.dma_semaphore, #tpu.memory_space<semaphore_mem>>) src(%dma_wait3A_90 : memref<16384xf32, #tpu.memory_space<hbm>>) dst(%dma_wait3A_86 : memref<128xf32, #tpu.memory_space<vmem>>)
    %dma_wait3A_91 = arith.constant 128 : i32
    %dma_wait3A_92 = tpu.memref_slice %arg11[%dma_wait3A_91] : memref<256xf32, #tpu.memory_space<vmem>> -> memref<128xf32, #tpu.memory_space<vmem>>
    %dma_wait3A_93 = arith.constant 128 : i32
    %dma_wait3A_94 = tpu.memref_slice %arg9[%dma_wait3A_93] : memref<256xi32, #tpu.memory_space<vmem>> -> memref<128xi32, #tpu.memory_space<vmem>>
    %dma_wait3A_95 = arith.constant 0 : i32
    %dma_wait3A_96 = tpu.memref_slice %arg4[%dma_wait3A_95] : memref<16384xf32, #tpu.memory_space<hbm>> -> memref<16384xf32, #tpu.memory_space<hbm>>
    tpu.wait_indirect_dma semaphore(%arg19 : memref<!tpu.dma_semaphore, #tpu.memory_space<semaphore_mem>>) src(%dma_wait3A_96 : memref<16384xf32, #tpu.memory_space<hbm>>) dst(%dma_wait3A_92 : memref<128xf32, #tpu.memory_space<vmem>>)
    %dma_wait3A_97 = arith.constant 128 : i32
    %dma_wait3A_98 = tpu.memref_slice %arg12[%dma_wait3A_97] : memref<256xf32, #tpu.memory_space<vmem>> -> memref<128xf32, #tpu.memory_space<vmem>>
    %dma_wait3A_99 = arith.constant 128 : i32
    %dma_wait3A_100 = tpu.memref_slice %arg8[%dma_wait3A_99] : memref<256xi32, #tpu.memory_space<vmem>> -> memref<128xi32, #tpu.memory_space<vmem>>
    %dma_wait3A_101 = arith.constant 0 : i32
    %dma_wait3A_102 = tpu.memref_slice %arg5[%dma_wait3A_101] : memref<16384xf32, #tpu.memory_space<hbm>> -> memref<16384xf32, #tpu.memory_space<hbm>>
    tpu.wait_indirect_dma semaphore(%arg19 : memref<!tpu.dma_semaphore, #tpu.memory_space<semaphore_mem>>) src(%dma_wait3A_102 : memref<16384xf32, #tpu.memory_space<hbm>>) dst(%dma_wait3A_98 : memref<128xf32, #tpu.memory_space<vmem>>)
    %dma_wait3A_103 = arith.constant 128 : i32
    %dma_wait3A_104 = tpu.memref_slice %arg13[%dma_wait3A_103] : memref<256xf32, #tpu.memory_space<vmem>> -> memref<128xf32, #tpu.memory_space<vmem>>
    %dma_wait3A_105 = arith.constant 128 : i32
    %dma_wait3A_106 = tpu.memref_slice %arg9[%dma_wait3A_105] : memref<256xi32, #tpu.memory_space<vmem>> -> memref<128xi32, #tpu.memory_space<vmem>>
    %dma_wait3A_107 = arith.constant 0 : i32
    %dma_wait3A_108 = tpu.memref_slice %arg5[%dma_wait3A_107] : memref<16384xf32, #tpu.memory_space<hbm>> -> memref<16384xf32, #tpu.memory_space<hbm>>
    tpu.wait_indirect_dma semaphore(%arg19 : memref<!tpu.dma_semaphore, #tpu.memory_space<semaphore_mem>>) src(%dma_wait3A_108 : memref<16384xf32, #tpu.memory_space<hbm>>) dst(%dma_wait3A_104 : memref<128xf32, #tpu.memory_space<vmem>>)
    %broadcast_in_dim3A = arith.constant 0.000000e+00 : f32
    %broadcast_in_dim3A_109 = vector.broadcast %broadcast_in_dim3A : f32 to vector<16xf32>
    %broadcast_in_dim3A_110 = arith.constant 0.000000e+00 : f32
    %broadcast_in_dim3A_111 = vector.broadcast %broadcast_in_dim3A_110 : f32 to vector<16xf32>
    %scan3A = arith.constant 0 : i32
    %scan3A_112 = arith.constant 16 : i32
    %scan3A_113 = arith.addi %scan3A, %scan3A_112 : i32
    %scan3A_114 = arith.constant 1 : i32
    %scan3A_115:2 = scf.for %scan3A_122 = %scan3A to %scan3A_113 step %scan3A_114 iter_args(%scan3A_123 = %broadcast_in_dim3A_109, %scan3A_124 = %broadcast_in_dim3A_111) -> (vector<16xf32>, vector<16xf32>)  : i32 {
      %mul3A_125 = arith.constant 16 : i32
      %mul3A_126 = arith.muli %mul3A_125, %scan3A_122 : i32
      %get3A = arith.index_cast %mul3A_126 : i32 to index
      %get3A_127 = tpu.vector_load %arg10[%get3A] {strides = array<i32>} : memref<256xf32, #tpu.memory_space<vmem>>, vector<16xf32>,
      %get3A_128 = arith.index_cast %mul3A_126 : i32 to index
      %get3A_129 = tpu.vector_load %arg11[%get3A_128] {strides = array<i32>} : memref<256xf32, #tpu.memory_space<vmem>>, vector<16xf32>,
      %get3A_130 = arith.index_cast %mul3A_126 : i32 to index
      %get3A_131 = tpu.vector_load %arg12[%get3A_130] {strides = array<i32>} : memref<256xf32, #tpu.memory_space<vmem>>, vector<16xf32>,
      %get3A_132 = arith.index_cast %mul3A_126 : i32 to index
      %get3A_133 = tpu.vector_load %arg13[%get3A_132] {strides = array<i32>} : memref<256xf32, #tpu.memory_space<vmem>>, vector<16xf32>,
      %get3A_134 = arith.index_cast %mul3A_126 : i32 to index
      %get3A_135 = tpu.vector_load %arg14[%get3A_134] {strides = array<i32>} : memref<256xf32, #tpu.memory_space<vmem>>, vector<16xf32>,
      %sub3A = arith.subf %get3A_127, %get3A_129 : vector<16xf32>
      %add3A_136 = arith.addf %get3A_131, %get3A_133 : vector<16xf32>
      %add3A_137 = arith.constant 9.99999997E-7 : f32
      %add3A_138 = vector.broadcast %add3A_137 : f32 to vector<16xf32>
      %add3A_139 = arith.addf %add3A_136, %add3A_138 : vector<16xf32>
      %bitcast3A = vector.bitcast %add3A_139 : vector<16xf32> to vector<16xi32>
      %shift_right_arithmetic3A = arith.constant 1 : i32
      %shift_right_arithmetic3A_140 = vector.broadcast %shift_right_arithmetic3A : i32 to vector<16xi32>
      %shift_right_arithmetic3A_141 = arith.shrsi %bitcast3A, %shift_right_arithmetic3A_140 : vector<16xi32>
      %sub3A_142 = arith.constant 1597463007 : i32
      %sub3A_143 = vector.broadcast %sub3A_142 : i32 to vector<16xi32>
      %sub3A_144 = arith.subi %sub3A_143, %shift_right_arithmetic3A_141 : vector<16xi32>
      %bitcast3A_145 = vector.bitcast %sub3A_144 : vector<16xi32> to vector<16xf32>
      %mul3A_146 = arith.constant 5.000000e-01 : f32
      %mul3A_147 = vector.broadcast %mul3A_146 : f32 to vector<16xf32>
      %mul3A_148 = arith.mulf %mul3A_147, %add3A_139 : vector<16xf32>
      %mul3A_149 = arith.mulf %mul3A_148, %bitcast3A_145 : vector<16xf32>
      %mul3A_150 = arith.mulf %mul3A_149, %bitcast3A_145 : vector<16xf32>
      %sub3A_151 = arith.constant 1.500000e+00 : f32
      %sub3A_152 = vector.broadcast %sub3A_151 : f32 to vector<16xf32>
      %sub3A_153 = arith.subf %sub3A_152, %mul3A_150 : vector<16xf32>
      %mul3A_154 = arith.mulf %bitcast3A_145, %sub3A_153 : vector<16xf32>
      %mul3A_155 = arith.constant 5.000000e-01 : f32
      %mul3A_156 = vector.broadcast %mul3A_155 : f32 to vector<16xf32>
      %mul3A_157 = arith.mulf %mul3A_156, %add3A_139 : vector<16xf32>
      %mul3A_158 = arith.mulf %mul3A_157, %mul3A_154 : vector<16xf32>
      %mul3A_159 = arith.mulf %mul3A_158, %mul3A_154 : vector<16xf32>
      %sub3A_160 = arith.constant 1.500000e+00 : f32
      %sub3A_161 = vector.broadcast %sub3A_160 : f32 to vector<16xf32>
      %sub3A_162 = arith.subf %sub3A_161, %mul3A_159 : vector<16xf32>
      %mul3A_163 = arith.mulf %mul3A_154, %sub3A_162 : vector<16xf32>
      %mul3A_164 = arith.constant 5.000000e-01 : f32
      %mul3A_165 = vector.broadcast %mul3A_164 : f32 to vector<16xf32>
      %mul3A_166 = arith.mulf %mul3A_165, %add3A_139 : vector<16xf32>
      %mul3A_167 = arith.mulf %mul3A_166, %mul3A_163 : vector<16xf32>
      %mul3A_168 = arith.mulf %mul3A_167, %mul3A_163 : vector<16xf32>
      %sub3A_169 = arith.constant 1.500000e+00 : f32
      %sub3A_170 = vector.broadcast %sub3A_169 : f32 to vector<16xf32>
      %sub3A_171 = arith.subf %sub3A_170, %mul3A_168 : vector<16xf32>
      %mul3A_172 = arith.mulf %mul3A_163, %sub3A_171 : vector<16xf32>
      %mul3A_173 = arith.mulf %sub3A, %mul3A_172 : vector<16xf32>
      %mul3A_174 = arith.constant 0.707106769 : f32
      %mul3A_175 = vector.broadcast %mul3A_174 : f32 to vector<16xf32>
      %mul3A_176 = arith.mulf %mul3A_173, %mul3A_175 : vector<16xf32>
      %abs3A = math.absf %mul3A_176 : vector<16xf32>
      %mul3A_177 = arith.constant 5.000000e-01 : f32
      %mul3A_178 = vector.broadcast %mul3A_177 : f32 to vector<16xf32>
      %mul3A_179 = arith.mulf %mul3A_178, %abs3A : vector<16xf32>
      %add3A_180 = arith.constant 1.000000e+00 : f32
      %add3A_181 = vector.broadcast %add3A_180 : f32 to vector<16xf32>
      %add3A_182 = arith.addf %add3A_181, %mul3A_179 : vector<16xf32>
      %div3A = arith.constant 1.000000e+00 : f32
      %div3A_183 = vector.broadcast %div3A : f32 to vector<16xf32>
      %div3A_184 = arith.divf %div3A_183, %add3A_182 : vector<16xf32>
      %mul3A_185 = arith.constant 0.170872763 : f32
      %mul3A_186 = vector.broadcast %mul3A_185 : f32 to vector<16xf32>
      %mul3A_187 = arith.mulf %div3A_184, %mul3A_186 : vector<16xf32>
      %add3A_188 = arith.constant -0.822152256 : f32
      %add3A_189 = vector.broadcast %add3A_188 : f32 to vector<16xf32>
      %add3A_190 = arith.addf %add3A_189, %mul3A_187 : vector<16xf32>
      %mul3A_191 = arith.mulf %div3A_184, %add3A_190 : vector<16xf32>
      %add3A_192 = arith.constant 1.48851585 : f32
      %add3A_193 = vector.broadcast %add3A_192 : f32 to vector<16xf32>
      %add3A_194 = arith.addf %add3A_193, %mul3A_191 : vector<16xf32>
      %mul3A_195 = arith.mulf %div3A_184, %add3A_194 : vector<16xf32>
      %add3A_196 = arith.constant -1.13520396 : f32
      %add3A_197 = vector.broadcast %add3A_196 : f32 to vector<16xf32>
      %add3A_198 = arith.addf %add3A_197, %mul3A_195 : vector<16xf32>
      %mul3A_199 = arith.mulf %div3A_184, %add3A_198 : vector<16xf32>
      %add3A_200 = arith.constant 0.278868079 : f32
      %add3A_201 = vector.broadcast %add3A_200 : f32 to vector<16xf32>
      %add3A_202 = arith.addf %add3A_201, %mul3A_199 : vector<16xf32>
      %mul3A_203 = arith.mulf %div3A_184, %add3A_202 : vector<16xf32>
      %add3A_204 = arith.constant -0.186288059 : f32
      %add3A_205 = vector.broadcast %add3A_204 : f32 to vector<16xf32>
      %add3A_206 = arith.addf %add3A_205, %mul3A_203 : vector<16xf32>
      %mul3A_207 = arith.mulf %div3A_184, %add3A_206 : vector<16xf32>
      %add3A_208 = arith.constant 0.0967841818 : f32
      %add3A_209 = vector.broadcast %add3A_208 : f32 to vector<16xf32>
      %add3A_210 = arith.addf %add3A_209, %mul3A_207 : vector<16xf32>
      %mul3A_211 = arith.mulf %div3A_184, %add3A_210 : vector<16xf32>
      %add3A_212 = arith.constant 0.374091953 : f32
      %add3A_213 = vector.broadcast %add3A_212 : f32 to vector<16xf32>
      %add3A_214 = arith.addf %add3A_213, %mul3A_211 : vector<16xf32>
      %mul3A_215 = arith.mulf %div3A_184, %add3A_214 : vector<16xf32>
      %add3A_216 = arith.constant 1.00002372 : f32
      %add3A_217 = vector.broadcast %add3A_216 : f32 to vector<16xf32>
      %add3A_218 = arith.addf %add3A_217, %mul3A_215 : vector<16xf32>
      %neg3A = arith.constant 0.000000e+00 : f32
      %neg3A_219 = vector.broadcast %neg3A : f32 to vector<16xf32>
      %neg3A_220 = arith.subf %neg3A_219, %abs3A : vector<16xf32>
      %mul3A_221 = arith.mulf %neg3A_220, %abs3A : vector<16xf32>
      %sub3A_222 = arith.constant 1.26551223 : f32
      %sub3A_223 = vector.broadcast %sub3A_222 : f32 to vector<16xf32>
      %sub3A_224 = arith.subf %mul3A_221, %sub3A_223 : vector<16xf32>
      %mul3A_225 = arith.mulf %div3A_184, %add3A_218 : vector<16xf32>
      %add3A_226 = arith.addf %sub3A_224, %mul3A_225 : vector<16xf32>
      %exp3A = math.exp %add3A_226 : vector<16xf32>
      %mul3A_227 = arith.mulf %div3A_184, %exp3A : vector<16xf32>
      %sub3A_228 = arith.constant 1.000000e+00 : f32
      %sub3A_229 = vector.broadcast %sub3A_228 : f32 to vector<16xf32>
      %sub3A_230 = arith.subf %sub3A_229, %mul3A_227 : vector<16xf32>
      %ge3A = arith.constant 0.000000e+00 : f32
      %ge3A_231 = vector.broadcast %ge3A : f32 to vector<16xf32>
      %ge3A_232 = arith.cmpf oge, %mul3A_176, %ge3A_231 : vector<16xf32>
      %neg3A_233 = arith.constant 0.000000e+00 : f32
      %neg3A_234 = vector.broadcast %neg3A_233 : f32 to vector<16xf32>
      %neg3A_235 = arith.subf %neg3A_234, %sub3A_230 : vector<16xf32>
      %select_n3A = arith.select %ge3A_232, %sub3A_230, %neg3A_235 : vector<16xi1>, vector<16xf32>
      %add3A_236 = arith.constant 1.000000e+00 : f32
      %add3A_237 = vector.broadcast %add3A_236 : f32 to vector<16xf32>
      %add3A_238 = arith.addf %add3A_237, %select_n3A : vector<16xf32>
      %mul3A_239 = arith.constant 5.000000e-01 : f32
      %mul3A_240 = vector.broadcast %mul3A_239 : f32 to vector<16xf32>
      %mul3A_241 = arith.mulf %mul3A_240, %add3A_238 : vector<16xf32>
      %add3A_242 = arith.constant 9.99999993E-9 : f32
      %add3A_243 = vector.broadcast %add3A_242 : f32 to vector<16xf32>
      %add3A_244 = arith.addf %mul3A_241, %add3A_243 : vector<16xf32>
      %bitcast3A_245 = vector.bitcast %add3A_244 : vector<16xf32> to vector<16xi32>
      %shift_right_arithmetic3A_246 = arith.constant 23 : i32
      %shift_right_arithmetic3A_247 = vector.broadcast %shift_right_arithmetic3A_246 : i32 to vector<16xi32>
      %shift_right_arithmetic3A_248 = arith.shrsi %bitcast3A_245, %shift_right_arithmetic3A_247 : vector<16xi32>
      %sub3A_249 = arith.constant 127 : i32
      %sub3A_250 = vector.broadcast %sub3A_249 : i32 to vector<16xi32>
      %sub3A_251 = arith.subi %shift_right_arithmetic3A_248, %sub3A_250 : vector<16xi32>
      %and3A = arith.constant 8388607 : i32
      %and3A_252 = vector.broadcast %and3A : i32 to vector<16xi32>
      %and3A_253 = arith.andi %bitcast3A_245, %and3A_252 : vector<16xi32>
      %or3A = arith.constant 1065353216 : i32
      %or3A_254 = vector.broadcast %or3A : i32 to vector<16xi32>
      %or3A_255 = arith.ori %and3A_253, %or3A_254 : vector<16xi32>
      %bitcast3A_256 = vector.bitcast %or3A_255 : vector<16xi32> to vector<16xf32>
      %gt3A = arith.constant 1.41421354 : f32
      %gt3A_257 = vector.broadcast %gt3A : f32 to vector<16xf32>
      %gt3A_258 = arith.cmpf ogt, %bitcast3A_256, %gt3A_257 : vector<16xf32>
      %mul3A_259 = arith.constant 5.000000e-01 : f32
      %mul3A_260 = vector.broadcast %mul3A_259 : f32 to vector<16xf32>
      %mul3A_261 = arith.mulf %mul3A_260, %bitcast3A_256 : vector<16xf32>
      %select_n3A_262 = arith.select %gt3A_258, %mul3A_261, %bitcast3A_256 : vector<16xi1>, vector<16xf32>
      %convert_element_type3A_263 = arith.sitofp %sub3A_251 : vector<16xi32> to vector<16xf32>
      %jit3A = arith.constant 1.000000e+00 : f32
      %jit3A_264 = arith.constant 0.000000e+00 : f32
      %broadcast_in_dim3A_265 = vector.broadcast %jit3A : f32 to vector<16xf32>
      %broadcast_in_dim3A_266 = vector.broadcast %jit3A_264 : f32 to vector<16xf32>
      %select_n3A_267 = arith.select %gt3A_258, %broadcast_in_dim3A_265, %broadcast_in_dim3A_266 : vector<16xi1>, vector<16xf32>
      %add3A_268 = arith.addf %convert_element_type3A_263, %select_n3A_267 : vector<16xf32>
      %sub3A_269 = arith.constant 1.000000e+00 : f32
      %sub3A_270 = vector.broadcast %sub3A_269 : f32 to vector<16xf32>
      %sub3A_271 = arith.subf %select_n3A_262, %sub3A_270 : vector<16xf32>
      %add3A_272 = arith.constant 1.000000e+00 : f32
      %add3A_273 = vector.broadcast %add3A_272 : f32 to vector<16xf32>
      %add3A_274 = arith.addf %select_n3A_262, %add3A_273 : vector<16xf32>
      %div3A_275 = arith.divf %sub3A_271, %add3A_274 : vector<16xf32>
      %mul3A_276 = arith.mulf %div3A_275, %div3A_275 : vector<16xf32>
      %mul3A_277 = arith.constant 2.000000e+00 : f32
      %mul3A_278 = vector.broadcast %mul3A_277 : f32 to vector<16xf32>
      %mul3A_279 = arith.mulf %mul3A_278, %div3A_275 : vector<16xf32>
      %mul3A_280 = arith.constant 0.142857149 : f32
      %mul3A_281 = vector.broadcast %mul3A_280 : f32 to vector<16xf32>
      %mul3A_282 = arith.mulf %mul3A_276, %mul3A_281 : vector<16xf32>
      %add3A_283 = arith.constant 2.000000e-01 : f32
      %add3A_284 = vector.broadcast %add3A_283 : f32 to vector<16xf32>
      %add3A_285 = arith.addf %add3A_284, %mul3A_282 : vector<16xf32>
      %mul3A_286 = arith.mulf %mul3A_276, %add3A_285 : vector<16xf32>
      %add3A_287 = arith.constant 0.333333343 : f32
      %add3A_288 = vector.broadcast %add3A_287 : f32 to vector<16xf32>
      %add3A_289 = arith.addf %add3A_288, %mul3A_286 : vector<16xf32>
      %mul3A_290 = arith.mulf %mul3A_276, %add3A_289 : vector<16xf32>
      %add3A_291 = arith.constant 1.000000e+00 : f32
      %add3A_292 = vector.broadcast %add3A_291 : f32 to vector<16xf32>
      %add3A_293 = arith.addf %add3A_292, %mul3A_290 : vector<16xf32>
      %mul3A_294 = arith.mulf %mul3A_279, %add3A_293 : vector<16xf32>
      %mul3A_295 = arith.constant 0.693147182 : f32
      %mul3A_296 = vector.broadcast %mul3A_295 : f32 to vector<16xf32>
      %mul3A_297 = arith.mulf %add3A_268, %mul3A_296 : vector<16xf32>
      %add3A_298 = arith.addf %mul3A_297, %mul3A_294 : vector<16xf32>
      %mul3A_299 = arith.mulf %get3A_135, %add3A_298 : vector<16xf32>
      %add3A_300 = arith.addf %scan3A_123, %mul3A_299 : vector<16xf32>
      %add3A_301 = arith.addf %scan3A_124, %get3A_135 : vector<16xf32>
      scf.yield %add3A_300, %add3A_301 : vector<16xf32>, vector<16xf32>
    }
    %scan3A_116 = arith.constant 16 : i32
    %swap3A = arith.constant 0 : index
    %swap3A_117 = tpu.vector_load %arg15[%swap3A] {strides = array<i32>} : memref<128xf32, #tpu.memory_space<vmem>>, vector<16xf32>,
    tpu.vector_store %arg15[%swap3A], %scan3A_115#0 {strides = array<i32>} : memref<128xf32, #tpu.memory_space<vmem>>, vector<16xf32>,
    %swap3A_118 = arith.constant 16 : index
    %swap3A_119 = tpu.vector_load %arg15[%swap3A_118] {strides = array<i32>} : memref<128xf32, #tpu.memory_space<vmem>>, vector<16xf32>,
    tpu.vector_store %arg15[%swap3A_118], %scan3A_115#1 {strides = array<i32>} : memref<128xf32, #tpu.memory_space<vmem>>, vector<16xf32>,
    "tpu.region"() ({
      %run_scoped3A = tpu.sem_alloc : memref<!tpu.dma_semaphore, #tpu.memory_space<semaphore_mem>>
      %dma_start3A_122 = arith.constant 0 : i32
      %dma_start3A_123 = tpu.memref_slice %arg16[%arg1, %dma_start3A_122] : memref<16x128xf32, #tpu.memory_space<vmem_shared>> -> memref<1x128xf32, #tpu.memory_space<vmem_shared>>
      %dma_start3A_124 = tpu.memref_squeeze %dma_start3A_123 : memref<1x128xf32, #tpu.memory_space<vmem_shared>> -> memref<128xf32, #tpu.memory_space<vmem_shared>>
      %dma_start3A_125 = arith.constant 0 : i32
      %dma_start3A_126 = tpu.memref_slice %arg16[%arg1, %dma_start3A_125] : memref<16x128xf32, #tpu.memory_space<vmem_shared>> -> memref<1x128xf32, #tpu.memory_space<vmem_shared>>
      %dma_start3A_127 = tpu.memref_squeeze %dma_start3A_126 : memref<1x128xf32, #tpu.memory_space<vmem_shared>> -> memref<128xf32, #tpu.memory_space<vmem_shared>>
      tpu.enqueue_dma source(%arg15 : memref<128xf32, #tpu.memory_space<vmem>>) target(%dma_start3A_127 : memref<128xf32, #tpu.memory_space<vmem_shared>>) target_semaphore(%run_scoped3A : memref<!tpu.dma_semaphore, #tpu.memory_space<semaphore_mem>>)
      %dma_wait3A_128 = arith.constant 0 : i32
      %dma_wait3A_129 = tpu.memref_slice %arg16[%arg1, %dma_wait3A_128] : memref<16x128xf32, #tpu.memory_space<vmem_shared>> -> memref<1x128xf32, #tpu.memory_space<vmem_shared>>
      %dma_wait3A_130 = tpu.memref_squeeze %dma_wait3A_129 : memref<1x128xf32, #tpu.memory_space<vmem_shared>> -> memref<128xf32, #tpu.memory_space<vmem_shared>>
      %dma_wait3A_131 = arith.constant 0 : i32
      %dma_wait3A_132 = tpu.memref_slice %arg16[%arg1, %dma_wait3A_131] : memref<16x128xf32, #tpu.memory_space<vmem_shared>> -> memref<1x128xf32, #tpu.memory_space<vmem_shared>>
      %dma_wait3A_133 = tpu.memref_squeeze %dma_wait3A_132 : memref<1x128xf32, #tpu.memory_space<vmem_shared>> -> memref<128xf32, #tpu.memory_space<vmem_shared>>
      tpu.wait_dma2 semaphore(%run_scoped3A : memref<!tpu.dma_semaphore, #tpu.memory_space<semaphore_mem>>) src(%arg15 : memref<128xf32, #tpu.memory_space<vmem>>) dst(%dma_wait3A_133 : memref<128xf32, #tpu.memory_space<vmem_shared>>)
      tpu.yield
    }) : () -> ()
    %barrier3A = arith.constant 0 : index
    tpu.barrier barrier_id(%barrier3A)
    %eq3A = arith.constant 0 : i32
    %eq3A_120 = arith.cmpi eq, %arg1, %eq3A : i32
    %convert_element_type3A = arith.extui %eq3A_120 : i1 to i32
    %cond3A = arith.constant 0 : i32
    %cond3A_121 = arith.cmpi ne, %convert_element_type3A, %cond3A : i32
    scf.if %cond3A_121 {
      "tpu.region"() ({
        %run_scoped3A = tpu.sem_alloc : memref<!tpu.dma_semaphore, #tpu.memory_space<semaphore_mem>>
        tpu.enqueue_dma source(%arg16 : memref<16x128xf32, #tpu.memory_space<vmem_shared>>) target(%arg17 : memref<16x128xf32, #tpu.memory_space<vmem>>) target_semaphore(%run_scoped3A : memref<!tpu.dma_semaphore, #tpu.memory_space<semaphore_mem>>)
        tpu.wait_dma2 semaphore(%run_scoped3A : memref<!tpu.dma_semaphore, #tpu.memory_space<semaphore_mem>>) src(%arg16 : memref<16x128xf32, #tpu.memory_space<vmem_shared>>) dst(%arg17 : memref<16x128xf32, #tpu.memory_space<vmem>>)
        tpu.yield
      }) : () -> ()
      %broadcast_in_dim3A_122 = arith.constant 0.000000e+00 : f32
      %broadcast_in_dim3A_123 = vector.broadcast %broadcast_in_dim3A_122 : f32 to vector<16xf32>
      %broadcast_in_dim3A_124 = arith.constant 0.000000e+00 : f32
      %broadcast_in_dim3A_125 = vector.broadcast %broadcast_in_dim3A_124 : f32 to vector<16xf32>
      %scan3A_126 = arith.constant 0 : i32
      %scan3A_127 = arith.constant 16 : i32
      %scan3A_128 = arith.addi %scan3A_126, %scan3A_127 : i32
      %scan3A_129 = arith.constant 1 : i32
      %scan3A_130:2 = scf.for %scan3A_136 = %scan3A_126 to %scan3A_128 step %scan3A_129 iter_args(%scan3A_137 = %broadcast_in_dim3A_123, %scan3A_138 = %broadcast_in_dim3A_125) -> (vector<16xf32>, vector<16xf32>)  : i32 {
        %get3A = arith.index_cast %scan3A_136 : i32 to index
        %get3A_139 = arith.constant 0 : index
        %get3A_140 = tpu.vector_load %arg17[%get3A, %get3A_139] {strides = array<i32>} : memref<16x128xf32, #tpu.memory_space<vmem>>, vector<16xf32>,
        %add3A_141 = arith.addf %scan3A_137, %get3A_140 : vector<16xf32>
        %get3A_142 = arith.index_cast %scan3A_136 : i32 to index
        %get3A_143 = arith.constant 16 : index
        %get3A_144 = tpu.vector_load %arg17[%get3A_142, %get3A_143] {strides = array<i32>} : memref<16x128xf32, #tpu.memory_space<vmem>>, vector<16xf32>,
        %add3A_145 = arith.addf %scan3A_138, %get3A_144 : vector<16xf32>
        scf.yield %add3A_141, %add3A_145 : vector<16xf32>, vector<16xf32>
      }
      %scan3A_131 = arith.constant 16 : i32
      %swap3A_132 = arith.constant 0 : index
      %swap3A_133 = tpu.vector_load %arg15[%swap3A_132] {strides = array<i32>} : memref<128xf32, #tpu.memory_space<vmem>>, vector<16xf32>,
      tpu.vector_store %arg15[%swap3A_132], %scan3A_130#0 {strides = array<i32>} : memref<128xf32, #tpu.memory_space<vmem>>, vector<16xf32>,
      %swap3A_134 = arith.constant 16 : index
      %swap3A_135 = tpu.vector_load %arg15[%swap3A_134] {strides = array<i32>} : memref<128xf32, #tpu.memory_space<vmem>>, vector<16xf32>,
      tpu.vector_store %arg15[%swap3A_134], %scan3A_130#1 {strides = array<i32>} : memref<128xf32, #tpu.memory_space<vmem>>, vector<16xf32>,
      "tpu.region"() ({
        %run_scoped3A = tpu.sem_alloc : memref<!tpu.dma_semaphore, #tpu.memory_space<semaphore_mem>>
        %dma_start3A_136 = arith.constant 0 : i32
        %dma_start3A_137 = tpu.memref_slice %arg7[%arg0, %dma_start3A_136] : memref<2x128xf32, #tpu.memory_space<hbm>> -> memref<1x128xf32, #tpu.memory_space<hbm>>
        %dma_start3A_138 = tpu.memref_squeeze %dma_start3A_137 : memref<1x128xf32, #tpu.memory_space<hbm>> -> memref<128xf32, #tpu.memory_space<hbm>>
        %dma_start3A_139 = arith.constant 0 : i32
        %dma_start3A_140 = tpu.memref_slice %arg7[%arg0, %dma_start3A_139] : memref<2x128xf32, #tpu.memory_space<hbm>> -> memref<1x128xf32, #tpu.memory_space<hbm>>
        %dma_start3A_141 = tpu.memref_squeeze %dma_start3A_140 : memref<1x128xf32, #tpu.memory_space<hbm>> -> memref<128xf32, #tpu.memory_space<hbm>>
        tpu.enqueue_dma source(%arg15 : memref<128xf32, #tpu.memory_space<vmem>>) target(%dma_start3A_141 : memref<128xf32, #tpu.memory_space<hbm>>) target_semaphore(%run_scoped3A : memref<!tpu.dma_semaphore, #tpu.memory_space<semaphore_mem>>)
        %dma_wait3A_142 = arith.constant 0 : i32
        %dma_wait3A_143 = tpu.memref_slice %arg7[%arg0, %dma_wait3A_142] : memref<2x128xf32, #tpu.memory_space<hbm>> -> memref<1x128xf32, #tpu.memory_space<hbm>>
        %dma_wait3A_144 = tpu.memref_squeeze %dma_wait3A_143 : memref<1x128xf32, #tpu.memory_space<hbm>> -> memref<128xf32, #tpu.memory_space<hbm>>
        %dma_wait3A_145 = arith.constant 0 : i32
        %dma_wait3A_146 = tpu.memref_slice %arg7[%arg0, %dma_wait3A_145] : memref<2x128xf32, #tpu.memory_space<hbm>> -> memref<1x128xf32, #tpu.memory_space<hbm>>
        %dma_wait3A_147 = tpu.memref_squeeze %dma_wait3A_146 : memref<1x128xf32, #tpu.memory_space<hbm>> -> memref<128xf32, #tpu.memory_space<hbm>>
        tpu.wait_dma2 semaphore(%run_scoped3A : memref<!tpu.dma_semaphore, #tpu.memory_space<semaphore_mem>>) src(%arg15 : memref<128xf32, #tpu.memory_space<vmem>>) dst(%dma_wait3A_147 : memref<128xf32, #tpu.memory_space<hbm>>)
        tpu.yield
      }) : () -> ()
    } else {
    }
    return
  }
}

</mosaic_0001>

<sc_bundles>
// kernel: kernel.3.cloned.1.call-start
scs
__scs_entry_jumppad:
0x0: {  	(pc) =	sbr.rel $0x88, $3  }
0x1: {  	(tag) =	ssettag $0x0;
	lr =	simm.s32 $0x1  }
0x2: {  	[smem:$0x3F9D] =	sst lr;
	_ =	strace $0xD0000000  }
0x3: {  	_ = 	snop  }
0x4: {  	_ = 	snop  }
0x5: {  	_ = 	snop  }
0x6: {  	_ = 	snop  }
0x7: {  	_ = 	snop  }
__scs_overlays_trampoline_lowered:
0x8: {  	[smem:$0x3FAC] =	sst s0  }
0x9: {  	[smem:$0x3FAD] =	sst s1  }
0xa: {  	[smem:$0x3FAE] =	sst s2  }
0xb: {  	[smem:$0x3FAF] =	sst s3  }
0xc: {  	[smem:$0x3FB0] =	sst s4  }
0xd: {  	[smem:$0x3FB1] =	sst s5  }
0xe: {  	[smem:$0x3FB2] =	sst s6  }
0xf: {  	[smem:$0x3FB3] =	sst s7  }
0x10: {  	[smem:$0x3FB4] =	sst s8  }
0x11: {  	[smem:$0x3FB5] =	sst s9;
	s0 =	simm.s32 @!p0 $0x0  }
0x12: {  	s1 =	sld [smem:$0x3F9B];
	s0 =	simm.s32 @p0 $0x1  }
0x13: {  	[smem:$0x3FB6] =	sst s0;
	s0 =	simm.s32 @!p1 $0x0  }
0x14: {  	s2 =	sld [smem:$0x3F9A];
	s0 =	simm.s32 @p1 $0x1  }
0x15: {  	[smem:$0x3FB7] =	sst s0;
	s0 =	simm.s32 @!p2 $0x0  }
0x16: {  	s3 =	sld [smem:$0x3FDB];
	s0 =	simm.s32 @p2 $0x1  }
0x17: {  	s4 =	simm.s32 $0x1BF5;
	[smem:$0x3FB9] =	sst s0  }
0x18: {  	s0 =	sld [smem:$0x3F9C];
	_ =	swait.ge [sflag:s4], $0x0  }
0x19: {  	s7 =	sld [smem:$0x3F9D]  }
0x1a: {  	s8 =	sadd.s32 $0xFFFFE003, lr  }
0x1b: {  	s9 =	sadd.s32 $0xFFFFFEF7, lr;
	s5 =	simm.s32 $0xFFFFFFFF;
	p2 =	slt.u32 s8, $0xFFFFF086  }
0x1c: {  	p1 =	slt.u32 s9, $0xF7A;
	s5 =	simm.s32 @!p2 $0x0  }
0x1d: {  	s5 =	simm.s32 @p1 $0x1;
	p0 =	seq.s32 s7, s2  }
0x1e: {  	s7 =	smul.u32 @!p0 $0xF7A, s2;
	p2 =	seq.s32 @!p0 s5, $0x0  }
0x1f: {  	s9 =	smul.u32 $0xF7A, s1;
	s8 =	simm.s32 @!p0 $0x1BF5;
	p2 =	por !p2, p0  }
0x20: {  	[sflag:s8] =	ssyncset.s32 @!p0 $0xFFFFF086;
	s6 =	sadd.s32 @!p0 s3, s7;
	s7 =	simm.s32 @!p0 $0x108  }
0x21: {  	s3 =	sadd.s32 s3, s9;
	s6 =	sadd.s32 @!p0 $0x88, s6;
	s7 =	simm.s32 @p2 $0x1082  }
0x22: {  	[simem:s7], [sflag:s8] =	dma.local @!p0 [hbm:s6], $0xF7A  }
0x23: {  	s9 =	sor.u32 $0xD0000000, s2;
	s6 =	simm.s32 $0x108;
	_ =	swait.ge @!p0 [sflag:s8], $0x0  }
0x24: {  	s3 =	sadd.s32 $0x88, s3;
	s6 =	simm.s32 @!p1 $0x1082;
	[sflag:s4] =	ssyncset.s32 $0xFFFFF086  }
0x25: {  	[simem:s6], [sflag:s4] =	dma.local [hbm:s3], $0xF7A  }
0x26: {  	[smem:$0x3F9D] =	sst s1;
	(tag) =	ssettag s2;
	_ =	strace s9  }
0x27: {  	s1 =	sld [smem:$0x3FAD]  }
0x28: {  	s2 =	sld [smem:$0x3FAE]  }
0x29: {  	s4 =	sld [smem:$0x3FB0]  }
0x2a: {  	p0 =	seq.s32 s5, $0x0;
	s5 =	sld [smem:$0x3FB1]  }
0x2b: {  	s6 =	sld [smem:$0x3FB2]  }
0x2c: {  	s7 =	sld [smem:$0x3FB3]  }
0x2d: {  	s3 =	simm.s32 $0x108;
	s8 =	sld [smem:$0x3FB4]  }
0x2e: {  	s3 =	simm.s32 @!p0 $0x1082;
	s9 =	sld [smem:$0x3FB5]  }
0x2f: {  	lr =	sadd.s32 s0, s3;
	s0 =	sld [smem:$0x3FAC]  }
0x30: {  	s3 =	sld [smem:$0x3FAF]  }
0x31: {  	[smem:$0x3FB8] =	sst s10  }
0x32: {  	s10 =	sld [smem:$0x3FB6];
	_ =	sdelay $0x3  }
0x33: {  	p0 =	seq.s32 s10, $0x1;
	s10 =	sld [smem:$0x3FB8];
	_ =	sdelay $0x3  }
0x34: {  	[smem:$0x3FB8] =	sst s10  }
0x35: {  	s10 =	sld [smem:$0x3FB7];
	_ =	sdelay $0x3  }
0x36: {  	p1 =	seq.s32 s10, $0x1;
	s10 =	sld [smem:$0x3FB8];
	_ =	sdelay $0x3  }
0x37: {  	[smem:$0x3FB8] =	sst s10  }
0x38: {  	s10 =	sld [smem:$0x3FB9]  }
0x39: {  	_ = 	snop;
	(pc) =	sbr.ind lr, $3  }
0x3a: {  	_ = 	snop  }
0x3b: {  	_ = 	snop  }
0x3c: {  	p2 =	seq.s32 s10, $0x1;
	s10 =	sld [smem:$0x3FB8]  }
0x3d: {  	_ =	shalt  }
0x3e: {  	_ =	shalt  }
0x3f: {  	_ =	shalt  }
0x40: {  	_ =	shalt  }
0x41: {  	_ =	shalt  }
0x42: {  	_ =	shalt  }
0x43: {  	_ =	shalt  }
0x44: {  	_ =	shalt  }
0x45: {  	_ =	shalt  }
0x46: {  	_ =	shalt  }
0x47: {  	_ =	shalt  }
0x48: {  	_ =	shalt  }
0x49: {  	_ =	shalt  }
0x4a: {  	_ =	shalt  }
0x4b: {  	_ =	shalt  }
0x4c: {  	_ =	shalt  }
0x4d: {  	_ =	shalt  }
0x4e: {  	_ =	shalt  }
0x4f: {  	_ =	shalt  }
0x50: {  	_ =	shalt  }
0x51: {  	_ =	shalt  }
0x52: {  	_ =	shalt  }
0x53: {  	_ =	shalt  }
0x54: {  	_ =	shalt  }
0x55: {  	_ =	shalt  }
0x56: {  	_ =	shalt  }
0x57: {  	_ =	shalt  }
0x58: {  	_ =	shalt  }
0x59: {  	_ =	shalt  }
0x5a: {  	_ =	shalt  }
0x5b: {  	_ =	shalt  }
0x5c: {  	_ =	shalt  }
0x5d: {  	_ =	shalt  }
0x5e: {  	_ =	shalt  }
0x5f: {  	_ =	shalt  }
0x60: {  	_ =	shalt  }
0x61: {  	_ =	shalt  }
0x62: {  	_ =	shalt  }
0x63: {  	_ =	shalt  }
0x64: {  	_ =	shalt  }
0x65: {  	_ =	shalt  }
0x66: {  	_ =	shalt  }
0x67: {  	_ =	shalt  }
0x68: {  	_ =	shalt  }
0x69: {  	_ =	shalt  }
0x6a: {  	_ =	shalt  }
0x6b: {  	_ =	shalt  }
0x6c: {  	_ =	shalt  }
0x6d: {  	_ =	shalt  }
0x6e: {  	_ =	shalt  }
0x6f: {  	_ =	shalt  }
0x70: {  	_ =	shalt  }
0x71: {  	_ =	shalt  }
0x72: {  	_ =	shalt  }
0x73: {  	_ =	shalt  }
0x74: {  	_ =	shalt  }
0x75: {  	_ =	shalt  }
0x76: {  	_ =	shalt  }
0x77: {  	_ =	shalt  }
0x78: {  	_ =	shalt  }
0x79: {  	_ =	shalt  }
0x7a: {  	_ =	shalt  }
0x7b: {  	_ =	shalt  }
0x7c: {  	_ =	shalt  }
0x7d: {  	_ =	shalt  }
0x7e: {  	_ =	shalt  }
0x7f: {  	_ =	shalt  }
0x80: {  	_ =	shalt  }
0x81: {  	_ =	shalt  }
0x82: {  	_ =	shalt  }
0x83: {  	_ =	shalt  }
0x84: {  	_ =	shalt  }
0x85: {  	_ =	shalt  }
0x86: {  	_ =	shalt  }
0x87: {  	_ =	shalt  }
.Lfunc_end0:
.L_simem_size_0:
called_computation_lowered:
.L_overlay_start_0:
0x88: {  	s2 =	sld [smem:$0x3FD9]  }
0x89: {  	s3 =	sld [smem:$0x3FFE];
	_ =	sdelay $0x1  }
0x8a: {  	s1 =	srdreg.scid  }
0x8b: {  	s0 =	sand.u32 $0x1, s1  }
0x8c: {  	s17 =	sshll.u32 s0, $0xA;
	s2 =	sadd.s32 s3, s2  }
0x8d: {  	s2 =	sadd.s32 s2, s17  }
0x8e: {  	[smem:$0x3FC4] =	sst s2  }
0x8f: {  	_ = 	snop  }
0x90: {  	s2 =	sld [smem:$0x3FC9]  }
0x91: {  	s18 =	sld [smem:$0x3FC8]  }
0x92: {  	s4 =	sld [smem:$0x3FC6];
	(tm) =	ssettm $0x1  }
0x93: {  	s5 =	sld [smem:$0x3FFB];
	_ =	sdelay $0x3  }
0x94: {  	_ =	strace s5  }
0x95: {  	s5 =	sld [smem:$0x3FFC];
	_ =	sdelay $0x3  }
0x96: {  	_ =	strace s5  }
0x97: {  	s5 =	sld [smem:$0x3FFD];
	_ =	sdelay $0x3  }
0x98: {  	_ =	strace s5  }
0x99: {  	_ =	strace $0x8FFFFFFF  }
0x9a: {  	s19 =	sld [smem:$0x3FDB];
	_ =	sdelay $0x1  }
0x9b: {  	s6 =	simm.s32 $_scs_section_size  }
0x9c: {  	s7 =	simm.s32 $_size__tile_overlayer_lowered;
	s8 =	simm.s32 $_tile_overlayer_lowered  }
0x9d: {  	s22 =	simm.s32 $0x1BFF;
	s21 =	sshll.u32 s8, $0x1;
	s5 =	sadd.s32 s6, s19  }
0x9e: {  	s9 =	simm.s32 $0x0;
	s20 =	sshll.u32 s7, $0x1;
	s7 =	sadd.s32 s21, s5  }
0x9f: {  	[timem:s9], [sflag:s22] =	dma.local [hbm:s7], s20  }
0xa0: {  	_ =	swait.ge [sflag:s22], s20  }
0xa1: {  	s6 =	ssub.s32 $0x0, s20;
	[sflag:s22] =	ssyncset.done $0x0  }
0xa2: {  	[sflag:s22] =	ssyncadd.s32 s6;
	_ =	sdelay $0x1  }
0xa3: {  	s23 =	simm.s32 $0x1B8B  }
0xa4: {  	_ =	swait.ge [sflag:s23], $0x1  }
0xa5: {  	[sflag:s23] =	ssyncset.done $0x0  }
0xa6: {  	s25 =	simm.s32 $0x1B8E;
	s24 =	sld [smem:$0x3FFE];
	[sflag:s23] =	ssyncadd.s32 $0xFFFFFFFF  }
0xa7: {  	s26 =	simm.s32 $execute0_lowered;
	[smem:$0x3FD2] =	sst s25  }
0xa8: {  	s7 =	sshll.u32 s26, $0x1;
	_ =	strace $0x80000046;
	[dreg:$0x1] =	wrdreg $0xFFFFFFFF  }
0xa9: {  	s28 =	simm.s32 $_size_execute0_lowered;
	s5 =	sadd.s32 s5, s7;
	[dreg:$0x0] =	wrdreg $0x0  }
0xaa: {  	s7 =	sshll.u32 s28, $0x1;
	[dreg:$0x2] =	wrdreg s5  }
0xab: {  	[dreg:$0x3] =	wrdreg s7  }
0xac: {  	[dreg:$0x4] =	wrdreg $0xC0  }
0xad: {  	_ =	task [dreg:s9], $0x5FFFF  }
0xae: {  	[dreg:$0x1] =	wrdreg $0xFFFFFFFF  }
0xaf: {  	[dreg:$0x0] =	wrdreg $0x60  }
0xb0: {  	[dreg:$0x2] =	wrdreg s24  }
0xb1: {  	[dreg:$0x3] =	wrdreg s2  }
0xb2: {  	[dreg:$0x4] =	wrdreg s18  }
0xb3: {  	[dreg:$0x5] =	wrdreg s4  }
0xb4: {  	[dreg:$0x6] =	wrdreg $0x7800  }
0xb5: {  	[dreg:$0x7] =	wrdreg $0x9  }
0xb6: {  	_ =	task.clear_ibuf [dreg:s9], $0x8FFFF;
	_ =	strace $0x90000046  }
0xb7: {  	s29 =	simm.s32 $0x9;
	_ =	strace $0x80000048  }
0xb8: {  	_ =	swait.ge [sflag:s29], $0x1  }
0xb9: {  	[sflag:s29] =	ssyncadd.s32 $0xFFFFFFFF  }
0xba: {  	_ =	strace $0x90000048  }
0xbb: {  	_ =	sfence  }
0xbc: {  	s30 =	sld [smem:$0x0];
	_ =	sdelay $0x2  }
0xbd: {  	s31 =	sshll.u32 s1, $0xD;
	s1 =	sshrl.u32 s1, $0x2  }
0xbe: {  	s3 =	sand.u32 $0x4000, s31;
	s1 =	sadd.s32 s1, s30  }
0xbf: {  	s0 =	sor.u32 s3, s0;
	s1 =	sshll.u32 s1, $0x11  }
0xc0: {  	s0 =	sor.u32 s1, s0  }
0xc1: {  	s0 =	sadd.s32 $0x8F2B, s0  }
0xc2: {  	[sflag:s0] =	ssyncadd.remote.s32 $0x1  }
0xc3: {  	_ =	sfence.sel $0xFFFF  }
0xc4: {  	[dreg:$0x0] =	wrdreg $0xFFFFFFFF;
	(pc) =	sbr.abs _section_cstart, $3  }
0xc5: {  	[dreg:$0x1] =	wrdreg $0xFFFFFFFF  }
0xc6: {  	_ =	task.clear_ibuf [dreg:s9], $0x2FFFF;
	_ =	strace $0x9FFFFFFF  }
0xc7: {  	(tm) =	ssettm $0x7FFFFFFF  }
tec
execute0_lowered:
.L_overlay_start_1:
0x0: {  	(tag) =	ssettag $0x1  }
0x1: {  	s0 =	rddreg [dreg:$0x0]  }
0x2: {  	s1 =	rddreg [dreg:$0x1]  }
0x3: {  	s2 =	rddreg [dreg:$0x2]  }
0x4: {  	s3 =	rddreg [dreg:$0x3]  }
0x5: {  	s11 =	rddreg [dreg:$0x4];
	s4 =	simm.s32 $0x0  }
0x6: {  	s5 =	srdreg.scid;
	s25 =	stileid.u32;
	s12 =	simm.s32 $0x600  }
0x7: {  	s13 =	simm.s32 $0x1;
	s14 =	simm.s32 $0x80;
	s15 =	simm.s32 $0x200  }
0x8: {  	s16 =	simm.s32 $0x300;
	s17 =	simm.s32 $0x400;
	s18 =	simm.s32 $0x500  }
0x9: {  	s19 =	simm.s32 $0x280;
	s20 =	simm.s32 $0x180;
	s21 =	simm.s32 $0x380  }
0xa: {  	s22 =	simm.s32 $0x480;
	s23 =	simm.s32 $0x580;
	s24 =	simm.s32 $0x2  }
0xb: {  	s29 =	simm.s32 $0x0;
	s31 =	simm.s32 $0x10;
	s28 =	simm.s32 $0x30  }
0xc: {  	[smem:$0x7FF] =	sst s4;
	s5 =	sand.u32 $0x1, s5;
	s6 =	sshll.u32 s25, $0x9  }
0xd: {  	p0 =	sne.s32 s25, $0x0;
	s25 =	simm.s32 $0x700;
	_ =	strace $0x80000047  }
0xe: {  	s7 =	sshll.u32 s5, $0x8;
	s8 =	sshll.u32 s5, $0x4;
	s5 =	ssub.s32 $0x2, s5  }
.Ltmp0:
0xf: {  	s30 =	sshrl.u32 s6, $0x2;
	s7 =	sor.u32 s7, s6;
	(pc) =	sbr.rel .LBB2_1-.Ltmp0, $4  }
0x10: {  	s9 =	sadd.s32 s8, s0;
	s26 =	sshrl.u32 s5, $0x1;
	s8 =	sadd.s32 s30, s11  }
0x11: {  	s11 =	simm.s32 $0x100;
	s7 =	sshrl.u32 s7, $0x3;
	s10 =	ssub.s32 s5, s26  }
0x12: {  	s9 =	sadd.s32 $0x800, s9;
	s26 =	simm.s32 $0x3;
	s5 =	sadd.s32 s0, s7  }
0x13: {  	v0 =	vimm.f32 $0.0e+00;
	s7 =	sadd.s32 s3, s7;
	s10 =	smax.u32 s10, $0x1;
	s6 =	sadd.s32 $0x400, s5  }
.LBB2_5:
0x14: {  	s29 =	sadd.s32 $0x1, s29  }
0x15: {  	p1 =	sne.s32 s29, s10  }
.Ltmp1:
0x16: {  	_ = 	snop;
	(pc) =	sbr.rel @!p1 .LBB2_6-.Ltmp1, $1  }
0x17: {  	_ =	sdelay $0x3  }
.LBB2_1:
0x18: {  	[tilespmem:s4], [sflag:$0x1] =	stream.linear.gather [hbm4b:s6+s4], $0x100, $0x38;
	[tilespmem:$0x1000] =	vst v63  }
0x19: {  	_ = 	snop  }
0x1a: {  	[tilespmem:s11], [sflag:$0x1] =	stream.linear.gather [hbm4b:s5+s4], $0x100, $0x38;
	[tilespmem:$0x1000] =	vst v63  }
0x1b: {  	_ = 	snop  }
0x1c: {  	[tilespmem:s12], [sflag:$0x1] =	stream.linear.gather [hbm4b:s7+s4], $0x100, $0x38;
	[tilespmem:$0x1000] =	vst v63  }
0x1d: {  	_ =	swait.ge [sflag:s13], $0x100  }
0x1e: {  	[sflag:s13] =	ssyncset.done $0x0  }
0x1f: {  	[sflag:s13] =	ssyncadd.s32 $0xFFFFFF00  }
0x20: {  	_ =	swait.ge [sflag:s13], $0x100  }
0x21: {  	[sflag:s13] =	ssyncset.done $0x0  }
0x22: {  	[sflag:s13] =	ssyncadd.s32 $0xFFFFFF00  }
0x23: {  	_ =	swait.ge [sflag:s13], $0x100  }
0x24: {  	[sflag:s13] =	ssyncset.done $0x0  }
0x25: {  	[sflag:s13] =	ssyncadd.s32 $0xFFFFFF00  }
0x26: {  	[tilespmem:s15], [sflag:$0x1] =	stream.indirect.gather [hbm4b:s1+s14], $0x1, s4, s14, $0xb8;
	[tilespmem:$0x1000] =	vst v63  }
0x27: {  	_ = 	snop  }
0x28: {  	[tilespmem:s16], [sflag:$0x1] =	stream.indirect.gather [hbm4b:s1+s14], $0x1, s11, s14, $0xb8;
	[tilespmem:$0x1000] =	vst v63  }
0x29: {  	_ = 	snop  }
0x2a: {  	[tilespmem:s17], [sflag:$0x1] =	stream.indirect.gather [hbm4b:s2+s14], $0x1, s4, s14, $0xb8;
	[tilespmem:$0x1000] =	vst v63  }
0x2b: {  	_ = 	snop  }
0x2c: {  	[tilespmem:s18], [sflag:$0x1] =	stream.indirect.gather [hbm4b:s2+s14], $0x1, s11, s14, $0xb8;
	[tilespmem:$0x1000] =	vst v63  }
0x2d: {  	_ = 	snop  }
0x2e: {  	[tilespmem:s19], [sflag:$0x2] =	stream.indirect.gather [hbm4b:s1+s14], $0x1, s14, s14, $0xb8;
	[tilespmem:$0x1000] =	vst v63  }
0x2f: {  	_ = 	snop  }
0x30: {  	[tilespmem:s21], [sflag:$0x2] =	stream.indirect.gather [hbm4b:s1+s14], $0x1, s20, s14, $0xb8;
	[tilespmem:$0x1000] =	vst v63  }
0x31: {  	_ = 	snop  }
0x32: {  	[tilespmem:s22], [sflag:$0x2] =	stream.indirect.gather [hbm4b:s2+s14], $0x1, s14, s14, $0xb8;
	[tilespmem:$0x1000] =	vst v63  }
0x33: {  	_ = 	snop  }
0x34: {  	[tilespmem:s23], [sflag:$0x2] =	stream.indirect.gather [hbm4b:s2+s14], $0x1, s20, s14, $0xb8;
	[tilespmem:$0x1000] =	vst v63  }
0x35: {  	_ =	swait.ge [sflag:s13], $0x80  }
0x36: {  	[sflag:s13] =	ssyncset.done $0x0  }
0x37: {  	[sflag:s13] =	ssyncadd.s32 $0xFFFFFF80  }
0x38: {  	_ =	swait.ge [sflag:s13], $0x80  }
0x39: {  	[sflag:s13] =	ssyncset.done $0x0  }
0x3a: {  	[sflag:s13] =	ssyncadd.s32 $0xFFFFFF80  }
0x3b: {  	_ =	swait.ge [sflag:s13], $0x80  }
0x3c: {  	[sflag:s13] =	ssyncset.done $0x0  }
0x3d: {  	[sflag:s13] =	ssyncadd.s32 $0xFFFFFF80  }
0x3e: {  	_ =	swait.ge [sflag:s13], $0x80  }
0x3f: {  	[sflag:s13] =	ssyncset.done $0x0  }
0x40: {  	[sflag:s13] =	ssyncadd.s32 $0xFFFFFF80  }
0x41: {  	_ =	swait.ge [sflag:s24], $0x80  }
0x42: {  	[sflag:s24] =	ssyncset.done $0x0  }
0x43: {  	[sflag:s24] =	ssyncadd.s32 $0xFFFFFF80  }
0x44: {  	_ =	swait.ge [sflag:s24], $0x80  }
0x45: {  	[sflag:s24] =	ssyncset.done $0x0  }
0x46: {  	[sflag:s24] =	ssyncadd.s32 $0xFFFFFF80  }
0x47: {  	_ =	swait.ge [sflag:s24], $0x80  }
0x48: {  	[sflag:s24] =	ssyncset.done $0x0  }
0x49: {  	[sflag:s24] =	ssyncadd.s32 $0xFFFFFF80  }
0x4a: {  	_ =	swait.ge [sflag:s24], $0x80  }
0x4b: {  	[sflag:s24] =	ssyncset.done $0x0  }
0x4c: {  	s30 =	simm.s32 $0x0;
	[sflag:s24] =	ssyncadd.s32 $0xFFFFFF80  }
0x4d: {  	v1 =	vld [tilespmem:s30+$0x500]  }
0x4e: {  	v2 =	vld [tilespmem:s30+$0x400];
	_ =	sdelay $0x4  }
0x4f: {  	v1 =	vadd.f32 v1, v2;
	_ =	sdelay $0x1  }
0x50: {  	v1 =	vadd.f32 $9.999999970e-07, v1;
	_ =	sdelay $0x1  }
0x51: {  	v2 =	vshra.s32 v1, $0x1;
	v1 =	vmul.f32 $5.000000000e-01, v1  }
0x52: {  	v2 =	vsub.s32 $0x5F3759DF, v2  }
0x53: {  	v3 =	vmul.f32 v2, v1;
	_ =	sdelay $0x1  }
0x54: {  	v3 =	vmul.f32 v2, v3;
	_ =	sdelay $0x1  }
0x55: {  	v3 =	vsub.f32 $1.500000000e+00, v3;
	_ =	sdelay $0x1  }
0x56: {  	v2 =	vmul.f32 v2, v3;
	_ =	sdelay $0x1  }
0x57: {  	v3 =	vmul.f32 v2, v1;
	_ =	sdelay $0x1  }
0x58: {  	v4 =	vld [tilespmem:s31+$0x500];
	v3 =	vmul.f32 v3, v2  }
0x59: {  	v5 =	vld [tilespmem:s31+$0x400]  }
0x5a: {  	v3 =	vsub.f32 $1.500000000e+00, v3;
	_ =	sdelay $0x1  }
0x5b: {  	v2 =	vmul.f32 v3, v2;
	_ =	sdelay $0x1  }
0x5c: {  	v4 =	vadd.f32 v4, v5;
	v5 =	vld [tilespmem:s30+$0x200];
	v1 =	vmul.f32 v2, v1  }
0x5d: {  	v3 =	vld [tilespmem:s30+$0x300]  }
0x5e: {  	v4 =	vadd.f32 $9.999999970e-07, v4;
	v1 =	vmul.f32 v1, v2;
	_ =	sdelay $0x1  }
0x5f: {  	s0 =	simm.s32 $0x20;
	v6 =	vshra.s32 v4, $0x1;
	v4 =	vmul.f32 $5.000000000e-01, v4;
	v1 =	vsub.f32 $1.500000000e+00, v1  }
0x60: {  	v7 =	vld [tilespmem:s0+$0x500];
	v6 =	vsub.s32 $0x5F3759DF, v6  }
0x61: {  	v8 =	vld [tilespmem:s0+$0x400];
	v3 =	vsub.f32 v5, v3;
	v1 =	vmul.f32 v1, v2;
	v2 =	vmul.f32 v6, v4;
	_ =	sdelay $0x1  }
0x62: {  	v1 =	vmul.f32 v1, v3;
	v2 =	vmul.f32 v6, v2;
	_ =	sdelay $0x1  }
0x63: {  	v5 =	vmul.f32 $7.071067690e-01, v1;
	v1 =	vsub.f32 $1.500000000e+00, v2  }
0x64: {  	v2 =	vadd.f32 v7, v8  }
0x65: {  	v3 =	vand.u32 $0x7FFFFFFF, v5;
	v1 =	vmul.f32 v6, v1  }
0x66: {  	v2 =	vadd.f32 $9.999999970e-07, v2;
	v6 =	vmul.f32 $5.000000000e-01, v3  }
0x67: {  	v7 =	vmul.f32 v1, v4  }
0x68: {  	v8 =	vshra.s32 v2, $0x1;
	v9 =	vmul.f32 $5.000000000e-01, v2;
	v6 =	vadd.f32 $1.000000000e+00, v6  }
0x69: {  	v2 =	vmul.f32 v7, v1;
	v7 =	vsub.s32 $0x5F3759DF, v8  }
0x6a: {  	(erf) = vrcp.f32 v6;
	v6 =	vmul.f32 v7, v9  }
0x6b: {  	v2 =	vsub.f32 $1.500000000e+00, v2  }
0x6c: {  	v6 =	vmul.f32 v7, v6  }
0x6d: {  	v8 =	vld [tilespmem:s28+$0x500];
	v1 =	vmul.f32 v2, v1  }
0x6e: {  	v2 =	vsub.f32 $1.500000000e+00, v6;
	v6 =	vld [tilespmem:s28+$0x400]  }
0x6f: {  	v10 =	vld [tilespmem:s31+$0x300];
	v4 =	vmul.f32 v1, v4  }
0x70: {  	v11 =	vld [tilespmem:s31+$0x200];
	v7 =	vmul.f32 v7, v2  }
0x71: {  	v4 =	vmul.f32 v4, v1  }
0x72: {  	v12 =	vmul.f32 v7, v9  }
0x73: {  	v2 =	vpop (erf);
	v4 =	vsub.f32 $1.500000000e+00, v4;
	v6 =	vadd.f32 v8, v6  }
0x74: {  	v8 =	vmul.f32 $1.708727630e-01, v2;
	v12 =	vmul.f32 v12, v7  }
0x75: {  	v10 =	vsub.f32 v11, v10;
	v1 =	vmul.f32 v4, v1;
	v4 =	vadd.f32 $9.999999970e-07, v6  }
0x76: {  	v6 =	vadd.f32 $-8.221522560e-01, v8;
	v8 =	vsub.f32 $1.500000000e+00, v12  }
0x77: {  	v1 =	vmul.f32 v1, v10;
	v10 =	vshra.s32 v4, $0x1;
	v4 =	vmul.f32 $5.000000000e-01, v4  }
0x78: {  	v6 =	vmul.f32 v6, v2;
	v7 =	vmul.f32 v8, v7;
	v8 =	vsub.s32 $0x5F3759DF, v10  }
0x79: {  	v13 =	vmul.f32 $7.071067690e-01, v1;
	v1 =	vmul.f32 v8, v4  }
0x7a: {  	v9 =	vmul.f32 v7, v9  }
0x7b: {  	v11 =	vld [tilespmem:s0+$0x200];
	v6 =	vadd.f32 $1.488515850e+00, v6;
	v12 =	vand.u32 $0x7FFFFFFF, v13;
	v1 =	vmul.f32 v8, v1  }
0x7c: {  	v10 =	vld [tilespmem:s0+$0x300];
	v14 =	vmul.f32 $5.000000000e-01, v12;
	v9 =	vmul.f32 v9, v7  }
0x7d: {  	v6 =	vmul.f32 v6, v2;
	v1 =	vsub.f32 $1.500000000e+00, v1  }
0x7e: {  	v14 =	vadd.f32 $1.000000000e+00, v14;
	v9 =	vsub.f32 $1.500000000e+00, v9  }
0x7f: {  	v6 =	vadd.f32 $-1.135203960e+00, v6;
	v1 =	vmul.f32 v8, v1  }
0x80: {  	(erf) = vrcp.f32 v14;
	v7 =	vmul.f32 v9, v7  }
0x81: {  	v8 =	vsub.f32 v11, v10;
	v6 =	vmul.f32 v6, v2;
	v9 =	vmul.f32 v1, v4;
	_ =	sdelay $0x1  }
0x82: {  	s3 =	simm.s32 $0x40;
	v7 =	vmul.f32 v7, v8;
	v6 =	vadd.f32 $2.788680790e-01, v6;
	v8 =	vmul.f32 v9, v1  }
0x83: {  	v11 =	vld [tilespmem:s3+$0x400]  }
0x84: {  	v10 =	vmul.f32 $7.071067690e-01, v7;
	v7 =	vld [tilespmem:s3+$0x500];
	v9 =	vmul.f32 v6, v2;
	v8 =	vsub.f32 $1.500000000e+00, v8;
	_ =	sdelay $0x1  }
0x85: {  	v6 =	vand.u32 $0x7FFFFFFF, v10;
	v9 =	vadd.f32 $-1.862880590e-01, v9;
	v1 =	vmul.f32 v8, v1  }
0x86: {  	v14 =	vmul.f32 $5.000000000e-01, v6  }
0x87: {  	v17 =	vld [tilespmem:s28+$0x200];
	v8 =	vmul.f32 v9, v2;
	v15 =	vpop (erf);
	v4 =	vmul.f32 v1, v4  }
0x88: {  	v9 =	vld [tilespmem:s28+$0x300];
	v7 =	vadd.f32 v7, v11;
	v16 =	vmul.f32 $1.708727630e-01, v15  }
0x89: {  	v14 =	vadd.f32 $1.000000000e+00, v14;
	v8 =	vadd.f32 $9.678418180e-02, v8;
	v4 =	vmul.f32 v4, v1  }
0x8a: {  	v7 =	vadd.f32 $9.999999970e-07, v7;
	v11 =	vadd.f32 $-8.221522560e-01, v16  }
0x8b: {  	(erf) = vrcp.f32 v14;
	v4 =	vsub.f32 $1.500000000e+00, v4  }
0x8c: {  	v8 =	vmul.f32 v8, v2;
	v14 =	vshra.s32 v7, $0x1;
	v11 =	vmul.f32 v11, v15  }
0x8d: {  	v16 =	vmul.f32 $5.000000000e-01, v7;
	v7 =	vsub.f32 v17, v9;
	v1 =	vmul.f32 v4, v1  }
0x8e: {  	v8 =	vadd.f32 $3.740919530e-01, v8;
	v4 =	vsub.s32 $0x5F3759DF, v14;
	v9 =	vadd.f32 $1.488515850e+00, v11  }
0x8f: {  	v11 =	vmul.f32 v4, v16;
	v1 =	vmul.f32 v1, v7  }
0x90: {  	v8 =	vmul.f32 v8, v2;
	v7 =	vsub.f32 $0.0e+00, v3;
	v14 =	vmul.f32 v9, v15  }
0x91: {  	v11 =	vmul.f32 v4, v11;
	v9 =	vmul.f32 $7.071067690e-01, v1  }
0x92: {  	v17 =	vadd.f32 $1.000023720e+00, v8;
	v1 =	vmul.f32 v7, v3  }
0x93: {  	v3 =	vadd.f32 $-1.135203960e+00, v14;
	v11 =	vsub.f32 $1.500000000e+00, v11;
	v7 =	vand.u32 $0x7FFFFFFF, v9  }
0x94: {  	v17 =	vmul.f32 v17, v2;
	v19 =	vmul.f32 $5.000000000e-01, v7  }
0x95: {  	v14 =	vpop (erf);
	v11 =	vmul.f32 v4, v11;
	v3 =	vmul.f32 v3, v15  }
0x96: {  	v1 =	vadd.f32 $-1.265512230e+00, v1;
	v18 =	vmul.f32 $1.708727630e-01, v14;
	v19 =	vadd.f32 $1.000000000e+00, v19  }
0x97: {  	v8 =	vld [tilespmem:s30+$0x600];
	v20 =	vmul.f32 v11, v16;
	v21 =	vadd.f32 $2.788680790e-01, v3  }
0x98: {  	v1 =	vadd.f32 v17, v1;
	v18 =	vadd.f32 $-8.221522560e-01, v18;
	(erf) = vrcp.f32 v19  }
0x99: {  	v4 =	vld [tilespmem:s31+$0x600];
	v17 =	vmul.f32 v20, v11;
	v19 =	vmul.f32 v21, v15  }
0x9a: {  	v20 =	vmul.f32 $1.442695020e+00, v1;
	v18 =	vmul.f32 v18, v14  }
0x9b: {  	v17 =	vsub.f32 $1.500000000e+00, v17;
	v19 =	vadd.f32 $-1.862880590e-01, v19  }
0x9c: {  	v24 =	vld [tilespmem:s3+$0x200];
	v21 =	vadd.f32 v8, v0;
	(erf) = vpow2.f32 v20;
	v18 =	vadd.f32 $1.488515850e+00, v18  }
0x9d: {  	v3 =	vld [tilespmem:s0+$0x600];
	v17 =	vmul.f32 v17, v11;
	v11 =	vmul.f32 v19, v15  }
0x9e: {  	s0 =	simm.s32 $0x50;
	v20 =	vadd.f32 v4, v21;
	v21 =	vld [tilespmem:s3+$0x300];
	v18 =	vmul.f32 v18, v14  }
0x9f: {  	v22 =	vsub.f32 $0.0e+00, v12;
	v23 =	vld [tilespmem:s0+$0x400];
	v11 =	vadd.f32 $9.678418180e-02, v11  }
0xa0: {  	v19 =	vld [tilespmem:s0+$0x500];
	v16 =	vmul.f32 v17, v16;
	v18 =	vadd.f32 $-1.135203960e+00, v18  }
0xa1: {  	v12 =	vmul.f32 v22, v12  }
0xa2: {  	v16 =	vmul.f32 v16, v17;
	v18 =	vmul.f32 v18, v14  }
0xa3: {  	v26 =	vadd.f32 $-1.265512230e+00, v12;
	v21 =	vsub.f32 v24, v21;
	v25 =	vmul.f32 v11, v15;
	v11 =	vpop (erf)  }
0xa4: {  	v16 =	vsub.f32 $1.500000000e+00, v16;
	v18 =	vadd.f32 $2.788680790e-01, v18;
	v12 =	vmul.f32 $1.708727630e-01, v11  }
0xa5: {  	v19 =	vadd.f32 v19, v23;
	v25 =	vadd.f32 $3.740919530e-01, v25  }
0xa6: {  	v16 =	vmul.f32 v16, v17;
	v17 =	vpop (erf);
	v18 =	vmul.f32 v18, v14;
	v12 =	vadd.f32 $-8.221522560e-01, v12  }
0xa7: {  	v19 =	vadd.f32 $9.999999970e-07, v19;
	v23 =	vmul.f32 v25, v15;
	v2 =	vmul.f32 v17, v2  }
0xa8: {  	v16 =	vmul.f32 v16, v21;
	v17 =	vadd.f32 $-1.862880590e-01, v18;
	v12 =	vmul.f32 v12, v11  }
0xa9: {  	v18 =	vshra.s32 v19, $0x1;
	v19 =	vmul.f32 $5.000000000e-01, v19;
	v21 =	vsub.f32 $1.000000000e+00, v2  }
0xaa: {  	v18 =	vsub.s32 $0x5F3759DF, v18;
	v24 =	vadd.f32 $1.488515850e+00, v12;
	v12 =	vmul.f32 $7.071067690e-01, v16  }
0xab: {  	vm0 =	vge.f32 v5, $0.0e+00;
	v25 =	vmul.f32 v18, v19;
	v27 =	vsub.f32 $0.0e+00, v21  }
0xac: {  	v23 =	vadd.f32 $1.000023720e+00, v23;
	v5 =	vmul.f32 v24, v11;
	v16 =	vand.u32 $0x7FFFFFFF, v12  }
0xad: {  	v24 =	vmul.f32 v18, v25;
	v21 =	vsel vm0, v21, v27;
	v25 =	vmul.f32 $5.000000000e-01, v16  }
0xae: {  	v22 =	vsub.f32 $0.0e+00, v6;
	v17 =	vmul.f32 v17, v14;
	v21 =	vadd.f32 $1.000000000e+00, v21  }
0xaf: {  	v1 =	vld [tilespmem:s28+$0x600];
	v23 =	vmul.f32 v23, v15;
	v5 =	vadd.f32 $-1.135203960e+00, v5;
	v25 =	vadd.f32 $1.000000000e+00, v25  }
0xb0: {  	v17 =	vadd.f32 $9.678418180e-02, v17;
	v24 =	vsub.f32 $1.500000000e+00, v24;
	v21 =	vmul.f32 $5.000000000e-01, v21  }
0xb1: {  	v20 =	vadd.f32 v3, v20;
	v5 =	vmul.f32 v5, v11;
	(erf) = vrcp.f32 v25  }
0xb2: {  	v23 =	vadd.f32 v23, v26;
	v17 =	vmul.f32 v17, v14;
	v18 =	vmul.f32 v18, v24  }
0xb3: {  	v6 =	vmul.f32 v22, v6;
	v21 =	vadd.f32 $9.999999930e-09, v21;
	v22 =	vadd.f32 $2.788680790e-01, v5  }
0xb4: {  	v20 =	vadd.f32 v1, v20;
	v17 =	vadd.f32 $3.740919530e-01, v17;
	v24 =	vmul.f32 v18, v19  }
0xb5: {  	v28 =	vld [tilespmem:s0+$0x300];
	v23 =	vmul.f32 $1.442695020e+00, v23;
	v25 =	vand.u32 $0x7FFFFF, v21;
	v22 =	vmul.f32 v22, v11  }
0xb6: {  	v2 =	vld [tilespmem:s3+$0x600];
	s3 =	simm.s32 $0x60;
	v17 =	vmul.f32 v17, v14;
	v24 =	vmul.f32 v24, v18;
	v25 =	vor.u32 $0x3F800000, v25  }
0xb7: {  	v30 =	vld [tilespmem:s3+$0x500];
	v26 =	vsub.f32 $0.0e+00, v7;
	v27 =	vmul.f32 $5.000000000e-01, v25;
	v22 =	vadd.f32 $-1.862880590e-01, v22  }
0xb8: {  	v32 =	vld [tilespmem:s3+$0x400];
	(erf) = vpow2.f32 v23;
	vm0 =	vgt.f32 v25, $1.414213540e+00;
	v24 =	vsub.f32 $1.500000000e+00, v24  }
0xb9: {  	v5 =	vld [tilespmem:s0+$0x600];
	v23 =	vsel vm0, v27, v25;
	v25 =	vadd.f32 $-1.265512230e+00, v6;
	v6 =	vmul.f32 v22, v11  }
0xba: {  	v29 =	vadd.f32 $1.000023720e+00, v17;
	v27 =	vld [tilespmem:s0+$0x200];
	v22 =	vadd.f32 $1.000000000e+00, v23;
	v24 =	vmul.f32 v24, v18;
	v17 =	vpop (erf)  }
0xbb: {  	v7 =	vmul.f32 v26, v7;
	v31 =	vadd.f32 $9.678418180e-02, v6;
	v33 =	vmul.f32 $1.708727630e-01, v17  }
0xbc: {  	v20 =	vadd.f32 v2, v20;
	(erf) = vrcp.f32 v22;
	v6 =	vld [tilespmem:s3+$0x600];
	v22 =	vmul.f32 v24, v19  }
0xbd: {  	v26 =	vmul.f32 v29, v14;
	v29 =	vmul.f32 v31, v11;
	v31 =	vadd.f32 $-8.221522560e-01, v33  }
0xbe: {  	v30 =	vadd.f32 v30, v32;
	v19 =	vadd.f32 $-1.265512230e+00, v7;
	v7 =	vmul.f32 v22, v24  }
0xbf: {  	v20 =	vadd.f32 v5, v20;
	v22 =	vsub.f32 v27, v28;
	v28 =	vmul.f32 v31, v17  }
0xc0: {  	v27 =	vadd.f32 $3.740919530e-01, v29;
	v29 =	vsub.f32 $1.500000000e+00, v7  }
0xc1: {  	v7 =	vadd.f32 v6, v20;
	v20 =	vadd.f32 $1.488515850e+00, v28  }
0xc2: {  	v30 =	vadd.f32 $9.999999970e-07, v30;
	v21 =	vshra.s32 v21, $0x17  }
0xc3: {  	v24 =	vmul.f32 v29, v24;
	v28 =	vpop (erf);
	v29 =	vmul.f32 v20, v17;
	v20 =	vadd.f32 $-1.000000000e+00, v23  }
0xc4: {  	v23 =	vshra.s32 v30, $0x1;
	v15 =	vmul.f32 v28, v15;
	v28 =	vmul.f32 $5.000000000e-01, v30  }
0xc5: {  	vm1 =	vge.f32 v13, $0.0e+00;
	v21 =	vadd.s32 $0xFFFFFF81, v21;
	v23 =	vsub.s32 $0x5F3759DF, v23  }
0xc6: {  	v22 =	vmul.f32 v24, v22;
	v29 =	vadd.f32 $-1.135203960e+00, v29;
	v24 =	vmul.f32 v23, v28  }
0xc7: {  	v21 =	vcvt.s32.f32 v21;
	v27 =	vmul.f32 v27, v11;
	v30 =	vsub.f32 $1.000000000e+00, v15  }
0xc8: {  	v34 =	vadd.f32 v26, v25;
	v29 =	vmul.f32 v29, v17;
	v15 =	vpop (erf);
	v13 =	vmul.f32 v23, v24  }
0xc9: {  	v31 =	vsub.f32 $0.0e+00, v30;
	v20 =	vmul.f32 v15, v20;
	v15 =	vmul.f32 $7.071067690e-01, v22  }
0xca: {  	v36 =	vmul.f32 $1.442695020e+00, v34;
	v25 =	vadd.f32 $1.000023720e+00, v27;
	v29 =	vadd.f32 $2.788680790e-01, v29  }
0xcb: {  	v30 =	vsel vm1, v30, v31;
	v13 =	vsub.f32 $1.500000000e+00, v13;
	v24 =	vand.u32 $0x7FFFFFFF, v15  }
0xcc: {  	v31 =	vsel vm0, $0x3F800000, v0;
	v22 =	vmul.f32 v20, v20;
	v62 =	vmul.f32 $5.000000000e-01, v24  }
0xcd: {  	v30 =	vadd.f32 $1.000000000e+00, v30;
	v21 =	vadd.f32 v21, v31;
	v31 =	vmul.f32 v23, v13  }
0xce: {  	v13 =	vmul.f32 v29, v17;
	v61 =	vmul.f32 $1.428571490e-01, v22;
	v29 =	vadd.f32 $1.000000000e+00, v62  }
0xcf: {  	v25 =	vmul.f32 v25, v11;
	v30 =	vmul.f32 $5.000000000e-01, v30  }
0xd0: {  	v63 =	vmul.f32 v31, v28;
	v32 =	vadd.f32 $2.000000030e-01, v61;
	(erf) = vrcp.f32 v29  }
0xd1: {  	v21 =	vmul.f32 $6.931471820e-01, v21;
	v13 =	vadd.f32 $-1.862880590e-01, v13;
	v23 =	vadd.f32 $9.999999930e-09, v30  }
0xd2: {  	v18 =	vsub.f32 $0.0e+00, v16;
	v35 =	vmul.f32 v63, v31;
	v30 =	vmul.f32 v32, v22  }
0xd3: {  	v29 =	vsub.f32 $0.0e+00, v24;
	v27 =	vand.u32 $0x7FFFFF, v23;
	v32 =	vmul.f32 v13, v17  }
0xd4: {  	v13 =	vimm.f32 $0.0e+00;
	v33 =	vor.u32 $0x3F800000, v27;
	v27 =	vld [tilespmem:s3+$0x200];
	v26 =	vadd.f32 $3.333333430e-01, v30  }
0xd5: {  	s30 =	simm.s32 $0x1C0;
	v35 =	vsub.f32 $1.500000000e+00, v35;
	v30 =	vld [tilespmem:s3+$0x300];
	vm0 =	vgt.f32 v33, $1.414213540e+00;
	v34 =	vmul.f32 $5.000000000e-01, v33  }
.LBB2_2:
0xd6: {  	s0 =	sshra.s32 s30, $0x2;
	p1 =	sne.s32 s30, $0x3C0;
	s30 =	sadd.s32 $0x40, s30;
	v32 =	vadd.f32 $9.678418180e-02, v32;
	v20 =	vadd.f32 v20, v20;
	v22 =	vmul.f32 v26, v22  }
0xd7: {  	v26 =	vld [tilespmem:s0+$0x600];
	v31 =	vmul.f32 v35, v31;
	(erf) = vpow2.f32 v36;
	v33 =	vsel vm0, v34, v33  }
0xd8: {  	v35 =	vmul.f32 v18, v16;
	v16 =	vmovc v24;
	v18 =	vmovc v29;
	v34 =	vld [tilespmem:s0+$0x500];
	v36 =	vadd.f32 $1.000000000e+00, v33;
	v22 =	vadd.f32 $1.000000000e+00, v22  }
0xd9: {  	v23 =	vshra.s32 v23, $0x17;
	v32 =	vmul.f32 v32, v17;
	v24 =	vld [tilespmem:s0+$0x400];
	v28 =	vmul.f32 v31, v28;
	v29 =	vpop (erf)  }
0xda: {  	v35 =	vadd.f32 $-1.265512230e+00, v35;
	v37 =	vld [tilespmem:s0+$0x300];
	v38 =	vmul.f32 $1.708727630e-01, v29;
	(erf) = vrcp.f32 v36  }
0xdb: {  	v30 =	vsub.f32 v27, v30;
	v20 =	vmul.f32 v22, v20;
	v27 =	vld [tilespmem:s0+$0x200];
	v28 =	vmul.f32 v28, v31  }
0xdc: {  	v23 =	vadd.s32 $0xFFFFFF81, v23;
	v32 =	vadd.f32 $3.740919530e-01, v32;
	v22 =	vadd.f32 $-8.221522560e-01, v38  }
0xdd: {  	v23 =	vcvt.s32.f32 v23;
	v20 =	vadd.f32 v20, v21;
	v28 =	vsub.f32 $1.500000000e+00, v28  }
0xde: {  	v7 =	vadd.f32 v26, v7;
	v32 =	vmul.f32 v32, v17;
	v21 =	vmul.f32 v22, v29  }
0xdf: {  	v22 =	vadd.f32 v34, v24;
	v20 =	vmul.f32 v20, v8;
	v8 =	vmovc v4;
	v24 =	vmul.f32 v28, v31  }
0xe0: {  	vm1 =	vge.f32 v10, $0.0e+00;
	v10 =	vsel vm0, $0x3F800000, v0;
	v21 =	vadd.f32 $1.488515850e+00, v21;
	v4 =	vpop (erf)  }
0xe1: {  	v22 =	vadd.f32 $9.999999970e-07, v22;
	v24 =	vmul.f32 v24, v30;
	v34 =	vmul.f32 v4, v14;
	v4 =	vmovc v3;
	v3 =	vmovc v1  }
0xe2: {  	v13 =	vadd.f32 v20, v13;
	v30 =	vadd.f32 $-1.000000000e+00, v33;
	v1 =	vmovc v2;
	v2 =	vmovc v5;
	v21 =	vmul.f32 v21, v29  }
0xe3: {  	v36 =	vshra.s32 v22, $0x1;
	v28 =	vmul.f32 $5.000000000e-01, v22;
	v31 =	vsub.f32 $1.000000000e+00, v34;
	v14 =	vpop (erf)  }
0xe4: {  	v5 =	vmovc v6;
	v6 =	vmovc v26;
	v33 =	vsub.s32 $0x5F3759DF, v36;
	v34 =	vmul.f32 $7.071067690e-01, v24;
	v20 =	vmul.f32 v14, v30  }
0xe5: {  	v26 =	vmul.f32 v33, v28;
	v21 =	vadd.f32 $-1.135203960e+00, v21;
	v14 =	vmovc v11;
	v11 =	vmovc v17;
	v36 =	vsub.f32 $0.0e+00, v31  }
0xe6: {  	v23 =	vadd.f32 v23, v10;
	v17 =	vmovc v29;
	v24 =	vand.u32 $0x7FFFFFFF, v34;
	v30 =	vmovc v37;
	v22 =	vmul.f32 v20, v20  }
0xe7: {  	v10 =	vmovc v9;
	v26 =	vmul.f32 v33, v26;
	v21 =	vmul.f32 v21, v17;
	v29 =	vsel vm1, v31, v36  }
0xe8: {  	v9 =	vmovc v12;
	v12 =	vmovc v15;
	v31 =	vmul.f32 $5.000000000e-01, v24;
	v29 =	vadd.f32 $1.000000000e+00, v29;
	v36 =	vmul.f32 $1.428571490e-01, v22  }
0xe9: {  	v15 =	vmovc v34;
	v26 =	vsub.f32 $1.500000000e+00, v26;
	v37 =	vadd.f32 $2.788680790e-01, v21;
	v21 =	vmul.f32 $6.931471820e-01, v23  }
0xea: {  	v23 =	vadd.f32 $1.000000000e+00, v31;
	v29 =	vmul.f32 $5.000000000e-01, v29;
	v34 =	vadd.f32 $2.000000030e-01, v36  }
0xeb: {  	v31 =	vmul.f32 v33, v26;
	v26 =	vmul.f32 v37, v17  }
0xec: {  	(erf) = vrcp.f32 v23;
	v23 =	vadd.f32 $9.999999930e-09, v29;
	v29 =	vmul.f32 v34, v22  }
.Ltmp2:
0xed: {  	v36 =	vadd.f32 v25, v19;
	v19 =	vmovc v35;
	v33 =	vmul.f32 v31, v28;
	v34 =	vadd.f32 $-1.862880590e-01, v26;
	(pc) =	sbr.rel @p1 .LBB2_2-.Ltmp2, $4  }
0xee: {  	v25 =	vadd.f32 $1.000023720e+00, v32;
	v35 =	vand.u32 $0x7FFFFF, v23;
	v26 =	vadd.f32 $3.333333430e-01, v29  }
0xef: {  	v37 =	vmul.f32 v33, v31;
	v32 =	vmul.f32 v34, v17;
	v33 =	vor.u32 $0x3F800000, v35  }
0xf0: {  	v25 =	vmul.f32 v25, v11;
	v29 =	vsub.f32 $0.0e+00, v24;
	vm0 =	vgt.f32 v33, $1.414213540e+00  }
0xf1: {  	v36 =	vmul.f32 $1.442695020e+00, v36;
	v35 =	vsub.f32 $1.500000000e+00, v37;
	v34 =	vmul.f32 $5.000000000e-01, v33  }
0xf2: {  	_ = 	snop  }
0xf3: {  	v31 =	vmul.f32 v35, v31;
	_ =	sdelay $0x1  }
0xf4: {  	v28 =	vmul.f32 v31, v28;
	_ =	sdelay $0x1  }
0xf5: {  	v28 =	vmul.f32 v28, v31  }
0xf6: {  	(erf) = vpow2.f32 v36  }
0xf7: {  	v28 =	vsub.f32 $1.500000000e+00, v28;
	_ =	sdelay $0x1  }
0xf8: {  	v27 =	vsub.f32 v27, v30;
	v28 =	vmul.f32 v28, v31;
	_ =	sdelay $0x1  }
0xf9: {  	v27 =	vmul.f32 v28, v27;
	_ =	sdelay $0x1  }
0xfa: {  	v27 =	vmul.f32 $7.071067690e-01, v27  }
0xfb: {  	v28 =	vpop (erf)  }
0xfc: {  	v58 =	vpop (erf);
	v31 =	vand.u32 $0x7FFFFFFF, v27  }
0xfd: {  	v33 =	vsel vm0, v34, v33;
	v14 =	vmul.f32 v58, v14;
	v59 =	vmul.f32 $5.000000000e-01, v31  }
0xfe: {  	v34 =	vadd.f32 $1.000000000e+00, v33  }
0xff: {  	v14 =	vsub.f32 $1.000000000e+00, v14;
	v30 =	vadd.f32 $1.000000000e+00, v59  }
0x100: {  	(erf) = vrcp.f32 v34  }
0x101: {  	v60 =	vsub.f32 $0.0e+00, v14;
	(erf) = vrcp.f32 v30  }
0x102: {  	v32 =	vadd.f32 $9.678418180e-02, v32;
	vm1 =	vge.f32 v10, $0.0e+00  }
0x103: {  	v14 =	vsel vm1, v14, v60  }
0x104: {  	v61 =	vmul.f32 v32, v17;
	v14 =	vadd.f32 $1.000000000e+00, v14;
	_ =	sdelay $0x1  }
0x105: {  	v10 =	vadd.f32 $3.740919530e-01, v61;
	v14 =	vmul.f32 $5.000000000e-01, v14  }
0x106: {  	v62 =	vmul.f32 $1.708727630e-01, v28  }
0x107: {  	v19 =	vadd.f32 v25, v19;
	v63 =	vmul.f32 v10, v17;
	v10 =	vadd.f32 $9.999999930e-09, v14  }
0x108: {  	v36 =	vmul.f32 v18, v16;
	v16 =	vpop (erf);
	v30 =	vadd.f32 $-8.221522560e-01, v62  }
0x109: {  	v19 =	vmul.f32 $1.442695020e+00, v19;
	v37 =	vadd.f32 $1.000023720e+00, v63;
	v38 =	vand.u32 $0x7FFFFF, v10;
	v32 =	vpop (erf)  }
0x10a: {  	v30 =	vmul.f32 v30, v28;
	v25 =	vor.u32 $0x3F800000, v38;
	v39 =	vmul.f32 $1.708727630e-01, v32  }
0x10b: {  	v18 =	vmul.f32 v37, v17;
	v14 =	vadd.f32 $-1.265512230e+00, v36;
	v40 =	vmul.f32 $5.000000000e-01, v25  }
0x10c: {  	v30 =	vadd.f32 $1.488515850e+00, v30;
	vm9 =	vgt.f32 v25, $1.414213540e+00;
	v34 =	vadd.f32 $-8.221522560e-01, v39  }
0x10d: {  	(erf) = vpow2.f32 v19;
	v14 =	vadd.f32 v18, v14;
	v19 =	vsel vm9, v40, v25  }
0x10e: {  	v30 =	vmul.f32 v30, v28;
	v41 =	vadd.f32 $1.000000000e+00, v19;
	v42 =	vmul.f32 v34, v32  }
0x10f: {  	v14 =	vmul.f32 $1.442695020e+00, v14  }
0x110: {  	v30 =	vadd.f32 $-1.135203960e+00, v30;
	(erf) = vrcp.f32 v41;
	v43 =	vadd.f32 $1.488515850e+00, v42  }
0x111: {  	(erf) = vpow2.f32 v14  }
0x112: {  	v44 =	vmul.f32 v30, v28;
	v45 =	vmul.f32 v43, v32;
	_ =	sdelay $0x1  }
0x113: {  	v46 =	vadd.f32 $2.788680790e-01, v44;
	v14 =	vadd.f32 $-1.135203960e+00, v45;
	_ =	sdelay $0x1  }
0x114: {  	v47 =	vpop (erf);
	v18 =	vmul.f32 v46, v28;
	v14 =	vmul.f32 v14, v32  }
0x115: {  	v11 =	vmul.f32 v47, v11  }
0x116: {  	v18 =	vadd.f32 $-1.862880590e-01, v18;
	v14 =	vadd.f32 $2.788680790e-01, v14  }
0x117: {  	v11 =	vsub.f32 $1.000000000e+00, v11;
	v25 =	vpop (erf)  }
0x118: {  	v18 =	vmul.f32 v18, v28;
	v48 =	vpop (erf);
	v14 =	vmul.f32 v14, v32  }
0x119: {  	v49 =	vsub.f32 $0.0e+00, v11;
	v50 =	vmul.f32 v48, v17  }
0x11a: {  	v18 =	vadd.f32 $9.678418180e-02, v18;
	v51 =	vadd.f32 $-1.862880590e-01, v14  }
0x11b: {  	vm2 =	vge.f32 v9, $0.0e+00;
	v17 =	vsub.f32 $1.000000000e+00, v50  }
0x11c: {  	v11 =	vsel vm2, v11, v49;
	v52 =	vmul.f32 v18, v28;
	v9 =	vmul.f32 v51, v32  }
0x11d: {  	v11 =	vadd.f32 $1.000000000e+00, v11;
	v53 =	vsub.f32 $0.0e+00, v17  }
0x11e: {  	vm10 =	vge.f32 v12, $0.0e+00;
	v14 =	vadd.f32 $3.740919530e-01, v52;
	v9 =	vadd.f32 $9.678418180e-02, v9  }
0x11f: {  	v11 =	vmul.f32 $5.000000000e-01, v11;
	v55 =	vsel vm10, v17, v53  }
0x120: {  	v54 =	vmul.f32 v14, v28;
	v14 =	vadd.f32 $1.000000000e+00, v55;
	v9 =	vmul.f32 v9, v32  }
0x121: {  	v24 =	vmul.f32 v29, v24;
	v11 =	vadd.f32 $9.999999930e-09, v11  }
0x122: {  	v57 =	vsub.f32 $0.0e+00, v31;
	v14 =	vmul.f32 $5.000000000e-01, v14;
	v9 =	vadd.f32 $3.740919530e-01, v9  }
0x123: {  	v59 =	vadd.f32 $-1.265512230e+00, v24;
	v56 =	vand.u32 $0x7FFFFF, v11;
	v12 =	vadd.f32 $1.000023720e+00, v54  }
0x124: {  	v17 =	vor.u32 $0x3F800000, v56;
	v58 =	vmul.f32 v9, v32;
	v9 =	vadd.f32 $9.999999930e-09, v14  }
0x125: {  	v18 =	vmul.f32 v57, v31;
	v60 =	vmul.f32 $5.000000000e-01, v17;
	vm3 =	vgt.f32 v17, $1.414213540e+00  }
0x126: {  	v12 =	vmul.f32 v12, v28;
	v29 =	vadd.f32 $1.000023720e+00, v58;
	v61 =	vand.u32 $0x7FFFFF, v9  }
0x127: {  	v18 =	vadd.f32 $-1.265512230e+00, v18;
	v17 =	vsel vm3, v60, v17;
	v62 =	vor.u32 $0x3F800000, v61  }
0x128: {  	v12 =	vadd.f32 v12, v59;
	v63 =	vmul.f32 v29, v32;
	v34 =	vmul.f32 $5.000000000e-01, v62  }
0x129: {  	v35 =	vadd.f32 $1.000000000e+00, v17;
	vm11 =	vgt.f32 v62, $1.414213540e+00  }
0x12a: {  	v12 =	vmul.f32 $1.442695020e+00, v12;
	v24 =	vsel vm11, v34, v62;
	v14 =	vadd.f32 v63, v18  }
0x12b: {  	(erf) = vrcp.f32 v35;
	v36 =	vadd.f32 $1.000000000e+00, v24  }
0x12c: {  	(erf) = vpow2.f32 v12;
	v37 =	vmul.f32 $1.442695020e+00, v14  }
0x12d: {  	(erf) = vrcp.f32 v36  }
0x12e: {  	(erf) = vpow2.f32 v37  }
0x12f: {  	v38 =	vadd.f32 $-1.000000000e+00, v33;
	_ =	sdelay $0x1  }
0x130: {  	v39 =	vmul.f32 v16, v38  }
0x131: {  	v40 =	vmul.f32 v26, v22  }
0x132: {  	v16 =	vmul.f32 v39, v39  }
0x133: {  	v41 =	vadd.f32 v20, v20;
	v14 =	vadd.f32 $1.000000000e+00, v40;
	v43 =	vpop (erf)  }
0x134: {  	v42 =	vmul.f32 $1.428571490e-01, v16;
	v44 =	vpop (erf)  }
0x135: {  	v14 =	vmul.f32 v14, v41;
	v46 =	vmul.f32 v44, v28;
	v47 =	vpop (erf)  }
0x136: {  	v23 =	vshra.s32 v23, $0x17;
	v45 =	vadd.f32 $2.000000030e-01, v42;
	v48 =	vpop (erf)  }
0x137: {  	v14 =	vadd.f32 v14, v21;
	v20 =	vsub.f32 $1.000000000e+00, v46;
	v21 =	vmul.f32 v48, v32  }
0x138: {  	vm12 =	vge.f32 v15, $0.0e+00;
	v23 =	vadd.s32 $0xFFFFFF81, v23;
	v18 =	vmul.f32 v45, v16  }
0x139: {  	v10 =	vshra.s32 v10, $0x17;
	v51 =	vsub.f32 $0.0e+00, v20;
	v21 =	vsub.f32 $1.000000000e+00, v21  }
0x13a: {  	vm13 =	vge.f32 v27, $0.0e+00;
	v10 =	vadd.s32 $0xFFFFFF81, v10;
	v49 =	vadd.f32 $3.333333430e-01, v18  }
0x13b: {  	v10 =	vcvt.s32.f32 v10;
	v53 =	vsel vm12, v20, v51;
	v54 =	vsub.f32 $0.0e+00, v21  }
0x13c: {  	v8 =	vmul.f32 v14, v8;
	v14 =	vmul.f32 v49, v16;
	v16 =	vadd.f32 $1.000000000e+00, v53  }
0x13d: {  	v57 =	vsel vm9, $0x3F800000, v0;
	v52 =	vadd.f32 $-1.000000000e+00, v19;
	v19 =	vsel vm13, v21, v54  }
0x13e: {  	v11 =	vshra.s32 v11, $0x17;
	v16 =	vmul.f32 $5.000000000e-01, v16;
	v19 =	vadd.f32 $1.000000000e+00, v19  }
0x13f: {  	v23 =	vcvt.s32.f32 v23;
	v10 =	vadd.f32 v10, v57;
	v11 =	vadd.s32 $0xFFFFFF81, v11  }
0x140: {  	v15 =	vmul.f32 v25, v52;
	v16 =	vadd.f32 $9.999999930e-09, v16;
	v19 =	vmul.f32 $5.000000000e-01, v19  }
0x141: {  	v10 =	vmul.f32 $6.931471820e-01, v10;
	v11 =	vcvt.s32.f32 v11;
	v50 =	vsel vm0, $0x3F800000, v0  }
0x142: {  	v55 =	vmul.f32 v15, v15;
	v58 =	vand.u32 $0x7FFFFF, v16;
	v19 =	vadd.f32 $9.999999930e-09, v19  }
0x143: {  	v15 =	vadd.f32 v15, v15;
	v31 =	vsel vm3, $0x3F800000, v0;
	v59 =	vor.u32 $0x3F800000, v58  }
0x144: {  	v18 =	vadd.f32 v23, v50;
	v23 =	vmul.f32 $5.000000000e-01, v59;
	v60 =	vand.u32 $0x7FFFFF, v19  }
0x145: {  	v56 =	vmul.f32 $1.428571490e-01, v55;
	vm14 =	vgt.f32 v59, $1.414213540e+00;
	v25 =	vor.u32 $0x3F800000, v60  }
0x146: {  	v17 =	vadd.f32 $-1.000000000e+00, v17;
	v21 =	vsel vm14, v23, v59;
	v61 =	vmul.f32 $5.000000000e-01, v25  }
0x147: {  	v11 =	vadd.f32 v11, v31;
	v23 =	vadd.f32 $1.000000000e+00, v21;
	vm15 =	vgt.f32 v25, $1.414213540e+00  }
0x148: {  	v9 =	vshra.s32 v9, $0x17;
	v17 =	vmul.f32 v43, v17;
	v22 =	vsel vm15, v61, v25  }
0x149: {  	v9 =	vadd.s32 $0xFFFFFF81, v9;
	(erf) = vrcp.f32 v23;
	v63 =	vadd.f32 $1.000000000e+00, v22  }
0x14a: {  	v12 =	vadd.f32 v39, v39;
	v9 =	vcvt.s32.f32 v9;
	v62 =	vmul.f32 v17, v17  }
0x14b: {  	v45 =	vsel vm11, $0x3F800000, v0;
	v14 =	vadd.f32 $1.000000000e+00, v14;
	(erf) = vrcp.f32 v63  }
0x14c: {  	v24 =	vadd.f32 $-1.000000000e+00, v24;
	v28 =	vmul.f32 $1.428571490e-01, v62;
	v20 =	vadd.f32 $2.000000030e-01, v56  }
0x14d: {  	v9 =	vadd.f32 v9, v45;
	v18 =	vmul.f32 $6.931471820e-01, v18;
	v12 =	vmul.f32 v14, v12  }
0x14e: {  	v29 =	vadd.f32 $2.000000030e-01, v28;
	v30 =	vmul.f32 v47, v24;
	v20 =	vmul.f32 v20, v55  }
0x14f: {  	v9 =	vmul.f32 $6.931471820e-01, v9;
	v37 =	vmul.f32 $6.931471820e-01, v11;
	v12 =	vadd.f32 v12, v18  }
0x150: {  	v32 =	vmul.f32 v29, v62;
	v33 =	vmul.f32 v30, v30;
	v20 =	vadd.f32 $3.333333430e-01, v20  }
0x151: {  	v8 =	vadd.f32 v8, v13;
	v4 =	vmul.f32 v12, v4;
	v36 =	vadd.f32 $-1.000000000e+00, v21  }
0x152: {  	v34 =	vadd.f32 $3.333333430e-01, v32;
	v35 =	vmul.f32 $1.428571490e-01, v33;
	v14 =	vmul.f32 v20, v55;
	v40 =	vpop (erf)  }
0x153: {  	v4 =	vadd.f32 v4, v8;
	v42 =	vadd.f32 $-1.000000000e+00, v22;
	v8 =	vmul.f32 v40, v36  }
0x154: {  	v38 =	vmul.f32 v34, v62;
	v39 =	vadd.f32 $2.000000030e-01, v35;
	v14 =	vadd.f32 $1.000000000e+00, v14;
	v43 =	vpop (erf)  }
0x155: {  	v41 =	vadd.f32 v17, v17;
	v44 =	vmul.f32 v8, v8;
	v13 =	vmul.f32 v43, v42  }
0x156: {  	v11 =	vadd.f32 $1.000000000e+00, v38;
	v12 =	vmul.f32 v39, v33;
	v14 =	vmul.f32 v14, v15  }
0x157: {  	v52 =	vadd.f32 v30, v30;
	v46 =	vmul.f32 $1.428571490e-01, v44;
	v47 =	vmul.f32 v13, v13  }
0x158: {  	v55 =	vshra.s32 v16, $0x17;
	v11 =	vmul.f32 v11, v41;
	v12 =	vadd.f32 $3.333333430e-01, v12  }
0x159: {  	v10 =	vadd.f32 v14, v10;
	v50 =	vadd.f32 $2.000000030e-01, v46;
	v51 =	vmul.f32 $1.428571490e-01, v47  }
0x15a: {  	v56 =	vsel vm14, $0x3F800000, v0;
	v49 =	vmul.f32 v12, v33;
	v12 =	vadd.s32 $0xFFFFFF81, v55  }
0x15b: {  	v3 =	vmul.f32 v10, v3;
	v53 =	vmul.f32 v50, v44;
	v54 =	vadd.f32 $2.000000030e-01, v51  }
0x15c: {  	v48 =	vadd.f32 v11, v37;
	v12 =	vcvt.s32.f32 v12;
	v57 =	vshra.s32 v19, $0x17  }
0x15d: {  	v3 =	vadd.f32 v3, v4;
	v4 =	vadd.f32 $3.333333430e-01, v53;
	v11 =	vmul.f32 v54, v47  }
0x15e: {  	v1 =	vmul.f32 v48, v1;
	v10 =	vadd.f32 $1.000000000e+00, v49;
	v15 =	vadd.s32 $0xFFFFFF81, v57  }
0x15f: {  	v12 =	vadd.f32 v12, v56;
	v4 =	vmul.f32 v4, v44;
	v11 =	vadd.f32 $3.333333430e-01, v11  }
0x160: {  	v10 =	vmul.f32 v10, v52;
	v58 =	vcvt.s32.f32 v15;
	v59 =	vsel vm15, $0x3F800000, v0  }
0x161: {  	v8 =	vadd.f32 v8, v8;
	v4 =	vadd.f32 $1.000000000e+00, v4;
	v11 =	vmul.f32 v11, v47  }
0x162: {  	v60 =	vmul.f32 $6.931471820e-01, v12;
	v9 =	vadd.f32 v10, v9;
	v61 =	vadd.f32 v58, v59  }
0x163: {  	v62 =	vadd.f32 v13, v13;
	v4 =	vmul.f32 v4, v8;
	v11 =	vadd.f32 $1.000000000e+00, v11  }
0x164: {  	v1 =	vadd.f32 v1, v3;
	v2 =	vmul.f32 v9, v2  }
0x165: {  	v63 =	vmul.f32 $6.931471820e-01, v61;
	v3 =	vadd.f32 v4, v60;
	v8 =	vmul.f32 v11, v62;
	_ =	sdelay $0x1  }
0x166: {  	v1 =	vadd.f32 v2, v1;
	v2 =	vmul.f32 v3, v5;
	v3 =	vadd.f32 v8, v63;
	_ =	sdelay $0x1  }
0x167: {  	v1 =	vadd.f32 v2, v1;
	v2 =	vmul.f32 v3, v6;
	_ =	sdelay $0x1  }
0x168: {  	v1 =	vadd.f32 v2, v1  }
0x169: {  	[tilespmem:$0x710] =	vst v7  }
0x16a: {  	[tilespmem:$0x700] =	vst v1  }
0x16b: {  	[spmem:s8] =	stream.linear.scatter [tilespmem:s25], [sflag:$0x3], $0x80, $0x38;
	[tilespmem:$0x1000] =	vst v63  }
.Ltmp3:
0x16c: {  	_ =	swait.ge [sflag:s26], $0x80;
	(pc) =	sbr.rel @p0 .LBB2_5-.Ltmp3, $3  }
0x16d: {  	[sflag:s26] =	ssyncset.done $0x0  }
0x16e: {  	[sflag:s26] =	ssyncadd.s32 $0xFFFFFF80  }
0x16f: {  	[bflag:$0x0] =	sbarrier.arrive $0xFFFF;
	_ =	sdelay $0x1  }
0x170: {  	s0 =	rddreg [dreg:$0x4];
	s3 =	simm.s32 $0x800  }
0x171: {  	[tilespmem:s3], [sflag:$0x3] =	stream.linear.gather [spmem:s0], $0x800, $0x38;
	[tilespmem:$0x1000] =	vst v63  }
0x172: {  	_ =	swait.ge [sflag:s26], $0x800  }
0x173: {  	[sflag:s26] =	ssyncset.done $0x0  }
0x174: {  	[sflag:s26] =	ssyncadd.s32 $0xFFFFF800  }
0x175: {  	v1 =	vld [tilespmem:$0x800]  }
0x176: {  	v2 =	vld [tilespmem:$0x810]  }
0x177: {  	v3 =	vld [tilespmem:$0x880]  }
0x178: {  	v4 =	vld [tilespmem:$0x890]  }
0x179: {  	v5 =	vld [tilespmem:$0x900]  }
0x17a: {  	v6 =	vld [tilespmem:$0x910];
	v1 =	vadd.f32 $0.0e+00, v1  }
0x17b: {  	v7 =	vld [tilespmem:$0x980];
	v2 =	vadd.f32 $0.0e+00, v2  }
0x17c: {  	v1 =	vadd.f32 v3, v1;
	v3 =	vld [tilespmem:$0x990]  }
0x17d: {  	v44 =	vld [tilespmem:$0xA00];
	v2 =	vadd.f32 v4, v2  }
0x17e: {  	v45 =	vld [tilespmem:$0xA10];
	v1 =	vadd.f32 v5, v1  }
0x17f: {  	v46 =	vld [tilespmem:$0xA80];
	v2 =	vadd.f32 v6, v2  }
0x180: {  	v47 =	vld [tilespmem:$0xA90];
	v1 =	vadd.f32 v7, v1  }
0x181: {  	v2 =	vadd.f32 v3, v2;
	v3 =	vld [tilespmem:$0xB00]  }
0x182: {  	v48 =	vld [tilespmem:$0xB10];
	v1 =	vadd.f32 v44, v1  }
0x183: {  	v49 =	vld [tilespmem:$0xB80];
	v2 =	vadd.f32 v45, v2  }
0x184: {  	v50 =	vld [tilespmem:$0xB90];
	v1 =	vadd.f32 v46, v1  }
0x185: {  	v51 =	vld [tilespmem:$0xC00];
	v2 =	vadd.f32 v47, v2  }
0x186: {  	v1 =	vadd.f32 v3, v1;
	v3 =	vld [tilespmem:$0xC10]  }
0x187: {  	v52 =	vld [tilespmem:$0xC80];
	v2 =	vadd.f32 v48, v2  }
0x188: {  	v53 =	vld [tilespmem:$0xC90];
	v1 =	vadd.f32 v49, v1  }
0x189: {  	v54 =	vld [tilespmem:$0xD00];
	v2 =	vadd.f32 v50, v2  }
0x18a: {  	v55 =	vld [tilespmem:$0xD10];
	v1 =	vadd.f32 v51, v1  }
0x18b: {  	v2 =	vadd.f32 v3, v2;
	v3 =	vld [tilespmem:$0xD80]  }
0x18c: {  	v56 =	vld [tilespmem:$0xD90];
	v1 =	vadd.f32 v52, v1  }
0x18d: {  	v57 =	vld [tilespmem:$0xE00];
	v2 =	vadd.f32 v53, v2  }
0x18e: {  	v58 =	vld [tilespmem:$0xE10];
	v1 =	vadd.f32 v54, v1  }
0x18f: {  	v59 =	vld [tilespmem:$0xE80];
	v2 =	vadd.f32 v55, v2  }
0x190: {  	v1 =	vadd.f32 v3, v1;
	v3 =	vld [tilespmem:$0xE90]  }
0x191: {  	v60 =	vld [tilespmem:$0xF00];
	v2 =	vadd.f32 v56, v2  }
0x192: {  	v61 =	vld [tilespmem:$0xF10];
	v1 =	vadd.f32 v57, v1  }
0x193: {  	v62 =	vld [tilespmem:$0xF80];
	v2 =	vadd.f32 v58, v2  }
0x194: {  	v63 =	vld [tilespmem:$0xF90];
	v1 =	vadd.f32 v59, v1  }
0x195: {  	v2 =	vadd.f32 v3, v2  }
0x196: {  	v1 =	vadd.f32 v60, v1  }
0x197: {  	v2 =	vadd.f32 v61, v2  }
0x198: {  	v1 =	vadd.f32 v62, v1  }
0x199: {  	v2 =	vadd.f32 v63, v2  }
0x19a: {  	[tilespmem:$0x700] =	vst v1  }
.Ltmp4:
0x19b: {  	[tilespmem:$0x710] =	vst v2;
	(pc) =	sbr.rel .LBB2_5-.Ltmp4, $4  }
0x19c: {  	[hbm4b:s9+s4] =	stream.linear.scatter [tilespmem:s25], [sflag:$0x3], $0x80, $0x38;
	[tilespmem:$0x1000] =	vst v63  }
0x19d: {  	_ =	swait.ge [sflag:s26], $0x80  }
0x19e: {  	[sflag:s26] =	ssyncset.done $0x0  }
0x19f: {  	[sflag:s26] =	ssyncadd.s32 $0xFFFFFF80  }
.LBB2_6:
0x1a0: {  	_ =	sfence.sel $0x180000  }
0x1a1: {  	[bflag:$0x0] =	sbarrier.arrive $0xFFFF  }
0x1a2: {  	_ =	strace $0x90000047  }
0x1a3: {  	[bflag:$0x2] =	sbarrier.arrive $0xFFFF  }
0x1a4: {  	s0 =	rddreg [dreg:$0x5]  }
0x1a5: {  	s0 =	sadd.s32 @!p0 $0x100000, s0  }
0x1a6: {  	[sflag:s0] =	ssyncadd.tile.s32 @!p0 $0x1;
	_ =	shalt  }
.Lfunc_end2:
_tile_overlayer_lowered:
.L_overlay_start_2:
0x1a7: {  	(tag) =	ssettag $0x2  }
0x1a8: {  	s0 =	rddreg [dreg:$0x0];
	s2 =	stileid.u32  }
0x1a9: {  	s1 =	rddreg [dreg:$0x1];
	p0 =	sne.s32 s2, $0x0  }
0x1aa: {  	s3 =	rddreg [dreg:$0x2];
	[bflag:$0x3] =	sbarrier.arrive $0xFFFF;
	s2 =	simm.s32 @!p0 $0x1C03  }
0x1ab: {  	[timem:s3], [sflag:s2] =	dma.local @!p0 [hbm:s0], s1  }
0x1ac: {  	s0 =	simm.s32 @!p0 $0x3  }
0x1ad: {  	_ =	swait.ge @!p0 [sflag:s0], s1  }
0x1ae: {  	s1 =	ssub.s32 @!p0 $0x0, s1;
	[sflag:s0] =	ssyncset.done @!p0 $0x0  }
0x1af: {  	[sflag:s0] =	ssyncadd.s32 @!p0 s1  }
0x1b0: {  	[bflag:$0x3] =	sbarrier.arrive $0xFFFF  }
0x1b1: {  	_ =	shalt  }

</sc_bundles>
